<compile_context>
chip_gen: v7x
topology: tpu7x:2x2x1
jax: 0.10.2.dev20260603
libtpu: 0.0.44.dev20260713+nightly
codegen_flags: <defaults>
</compile_context>

<pallas_src>
import functools

import jax
import jax.numpy as jnp
from jax import lax
from jax.experimental import pallas as pl
from jax.experimental.pallas import tpu as pltpu
from jax.experimental.pallas import tpu_sc as plsc

N = 10000
E = 320000
F = 128
NC = 2
NS = 16
NW = NC * NS
EPW = E // NW
CH = 80
NCHUNK = EPW // CH
NP = NS * 640
BN = 1000
GRID = N // BN

_mesh = plsc.VectorSubcoreMesh(core_axis_name="c", subcore_axis_name="s")


@functools.partial(
    pl.kernel,
    out_type=jax.ShapeDtypeStruct((NC, NP), jnp.float32),
    mesh=_mesh,
    scratch_types=[
        pltpu.VMEM((NCHUNK, CH), jnp.int32),
        pltpu.VMEM((CH,), jnp.float32),
        pltpu.VMEM((640,), jnp.float32),
        pltpu.VMEM_SHARED((NP,), jnp.float32),
        pltpu.SemaphoreType.DMA,
        pltpu.SemaphoreType.DMA,
    ],
)
def _deg_kernel(dst3_hbm, zeros_hbm, ones_hbm, hist_hbm, didx_all, ones_v, zb,
                hist_sp, sem0, sem1):
    c = lax.axis_index("c")
    s = lax.axis_index("s")
    pltpu.sync_copy(zeros_hbm, zb)
    pltpu.sync_copy(ones_hbm, ones_v)
    pltpu.sync_copy(zb, hist_sp.at[pl.ds(s * 640, 640)])
    wid = c * NS + s
    pltpu.sync_copy(dst3_hbm.at[wid], didx_all)
    plsc.subcore_barrier()

    def addchunk(j, sem):
        pltpu.async_copy(ones_v, hist_sp.at[didx_all.at[j]], sem, add=True)

    def drain(sem):
        pltpu.make_async_copy(zeros_hbm.at[pl.ds(0, CH)], ones_v, sem).wait()

    addchunk(0, sem0)

    def pair(p, carry):
        j0 = 2 * p
        addchunk(j0 + 1, sem1)
        drain(sem0)
        addchunk(j0 + 2, sem0)
        drain(sem1)
        return carry

    lax.fori_loop(0, (NCHUNK - 1) // 2, pair, 0)
    drain(sem0)
    plsc.subcore_barrier()
    pltpu.sync_copy(hist_sp.at[pl.ds(s * 640, 640)], zb)
    pltpu.sync_copy(zb, hist_hbm.at[c, pl.ds(s * 640, 640)])


def _mm_body(hist_ref, x_ref, w_ref, u_ref, h2_ref, dis_ref, wsn_ref):
    @pl.when(pl.program_id(0) == 0)
    def _():
        W = w_ref[...]
        u_row = u_ref[...]
        v = lax.dot_general(u_row, W, (((1,), (0,)), ((), ())))
        v = v / (jnp.sqrt(jnp.sum(v * v)) + 1e-12)
        wv = lax.dot_general(v, W, (((1,), (1,)), ((), ())))
        u2 = wv / (jnp.sqrt(jnp.sum(wv * wv)) + 1e-12)
        sigma = jnp.sum(u2 * wv)
        wsn_ref[...] = W / sigma

    ht = hist_ref[...]
    deg = ht[:, 0:1] + ht[:, 1:2] + 1.0
    dis = lax.rsqrt(deg)
    dis_ref[...] = dis
    h = lax.dot_general(x_ref[...], wsn_ref[...], (((1,), (1,)), ((), ())),
                        preferred_element_type=jnp.float32)
    h2_ref[...] = h * dis


_mm_call = pl.pallas_call(
    _mm_body,
    grid=(GRID,),
    in_specs=[
        pl.BlockSpec((BN, NC), lambda i: (i, 0)),
        pl.BlockSpec((BN, F), lambda i: (i, 0)),
        pl.BlockSpec((F, F), lambda i: (0, 0)),
        pl.BlockSpec((1, F), lambda i: (0, 0)),
    ],
    out_specs=[
        pl.BlockSpec((BN, F), lambda i: (i, 0)),
        pl.BlockSpec((BN, 1), lambda i: (i, 0)),
    ],
    out_shape=[
        jax.ShapeDtypeStruct((N, F), jnp.float32),
        jax.ShapeDtypeStruct((N, 1), jnp.float32),
    ],
    scratch_shapes=[pltpu.VMEM((F, F), jnp.float32)],
)


@functools.partial(
    pl.kernel,
    out_type=jax.ShapeDtypeStruct((NC, NP, F), jnp.float32),
    mesh=_mesh,
    scratch_types=[
        pltpu.VMEM((EPW,), jnp.int32),
        pltpu.VMEM((NCHUNK, CH), jnp.int32),
        pltpu.VMEM((CH, F), jnp.float32),
        pltpu.VMEM((CH, F), jnp.float32),
        pltpu.VMEM_SHARED((NP, F), jnp.float32),
        pltpu.SemaphoreType.DMA,
        pltpu.SemaphoreType.DMA,
    ],
)
def _scatter_kernel(h2_hbm, src2_hbm, dst3_hbm, zrows_hbm, part_hbm,
                    sidx_all, didx_all, rows0, rows1, acc_sp, sem0, sem1):
    c = lax.axis_index("c")
    s = lax.axis_index("s")
    wid = c * NS + s
    bufs = (rows0, rows1)
    sems = (sem0, sem1)
    pltpu.sync_copy(zrows_hbm, rows0)
    for k in range(640 // CH):
        pltpu.sync_copy(rows0, acc_sp.at[pl.ds(s * 640 + k * CH, CH)])
    pltpu.sync_copy(src2_hbm.at[wid], sidx_all)
    pltpu.sync_copy(dst3_hbm.at[wid], didx_all)
    plsc.subcore_barrier()

    def gather(j, b):
        pltpu.async_copy(h2_hbm.at[sidx_all.at[pl.ds(j * CH, CH)]],
                         bufs[b], sems[b])

    def gwait(b):
        pltpu.make_async_copy(h2_hbm.at[pl.ds(0, CH)], bufs[b],
                              sems[b]).wait()

    def scat(j, b):
        pltpu.sync_copy(bufs[b], acc_sp.at[didx_all.at[j]], add=True)

    gather(0, 0)

    def pair(p, carry):
        j0 = 2 * p
        gather(j0 + 1, 1)
        gwait(0)
        scat(j0, 0)
        gather(j0 + 2, 0)
        gwait(1)
        scat(j0 + 1, 1)
        return carry

    lax.fori_loop(0, (NCHUNK - 1) // 2, pair, 0)
    gwait(0)
    scat(NCHUNK - 1, 0)
    plsc.subcore_barrier()
    for k in range(640 // CH):
        b = k % 2
        if k >= 2:
            gwait(b)
        pltpu.sync_copy(acc_sp.at[pl.ds(s * 640 + k * CH, CH)], bufs[b])
        pltpu.async_copy(bufs[b], part_hbm.at[c, pl.ds(s * 640 + k * CH, CH)],
                         sems[b])
    gwait(0)
    gwait(1)


def _ep_body(p_ref, h2_ref, dis_ref, b_ref, a_ref, out_ref):
    z = (p_ref[0] + p_ref[1] + h2_ref[...]) * dis_ref[...] + b_ref[...]
    out_ref[...] = jnp.where(z > 0, z, a_ref[0, 0] * z)


_ep_call = pl.pallas_call(
    _ep_body,
    grid=(GRID,),
    in_specs=[
        pl.BlockSpec((NC, BN, F), lambda i: (0, i, 0)),
        pl.BlockSpec((BN, F), lambda i: (i, 0)),
        pl.BlockSpec((BN, 1), lambda i: (i, 0)),
        pl.BlockSpec((1, F), lambda i: (0, 0)),
        pl.BlockSpec((1, 1), lambda i: (0, 0)),
    ],
    out_specs=pl.BlockSpec((BN, F), lambda i: (i, 0)),
    out_shape=jax.ShapeDtypeStruct((N, F), jnp.float32),
)


def kernel(x, edge_index, W, b, a, u):
    src2 = edge_index[0].astype(jnp.int32).reshape(NW, EPW)
    dst3 = edge_index[1].astype(jnp.int32).reshape(NW, NCHUNK, CH)
    zeros640 = jnp.zeros((640,), jnp.float32)
    ones_ch = jnp.ones((CH,), jnp.float32)
    zrows = jnp.zeros((CH, F), jnp.float32)

    hist = _deg_kernel(dst3, zeros640, ones_ch)
    h2, dis = _mm_call(hist.T, x, W, u.reshape(1, F))
    part = _scatter_kernel(h2, src2, dst3, zrows)
    return _ep_call(part, h2, dis, b.reshape(1, F), a.reshape(1, 1))

# --- scband reference (transcript-rebuilt; emitter-appended) ---
"""Pipeline reference for scband-encoder-dgi-6081673691169 (READ-ONLY COPY).

The authoritative reference and input builder live on the scoring server;
editing this copy changes nothing except your own understanding.
"""

import jax, jax.numpy as jnp
import numpy as np

N = 10000
E = 320000
F_IN = 128
F_OUT = 128


def setup_inputs(seed: int = 0) -> dict:
    key = jax.random.key(seed)
    k1, k2, k3, k4 = jax.random.split(key, 4)
    x = jax.random.normal(k1, (N, F_IN), dtype=jnp.float32)
    edge_index = jax.random.randint(k2, (2, E), 0, N)
    # GCNConv linear weight (torch layout: [out, in]) and bias
    W = jax.random.normal(k3, (F_OUT, F_IN), dtype=jnp.float32) * (1.0 / np.sqrt(F_IN))
    b = jnp.zeros((F_OUT,), dtype=jnp.float32)
    # PReLU single parameter (torch default init 0.25)
    a = jnp.full((1,), 0.25, dtype=jnp.float32)
    # spectral_norm power-iteration vector u (buffer)
    u = jax.random.normal(k4, (F_OUT,), dtype=jnp.float32)
    return {"x": x, "edge_index": edge_index, "W": W, "b": b, "a": a, "u": u}


def _spectral_normalize(W, u):
    eps = 1e-12
    # one power iteration (torch default n_power_iterations=1), done without grad
    v = W.T @ u
    v = v / (jnp.linalg.norm(v) + eps)
    u2 = W @ v
    u2 = u2 / (jnp.linalg.norm(u2) + eps)
    u2 = jax.lax.stop_gradient(u2)
    v = jax.lax.stop_gradient(v)
    sigma = u2 @ (W @ v)
    return W / sigma


def reference(x, edge_index, W, b, a, u):
    W_sn = _spectral_normalize(W, u)
    src = edge_index[0]
    dst = edge_index[1]
    # add self loops (PyG GCNConv default add_self_loops=True)
    loop = jnp.arange(N, dtype=src.dtype)
    src = jnp.concatenate([src, loop])
    dst = jnp.concatenate([dst, loop])
    ew = jnp.ones(src.shape[0], dtype=x.dtype)
    # symmetric normalization: deg computed at dst (col)
    deg = jnp.zeros((N,), dtype=x.dtype).at[dst].add(ew)
    deg_inv_sqrt = jnp.where(deg > 0, deg ** -0.5, 0.0)
    norm = deg_inv_sqrt[src] * deg_inv_sqrt[dst]
    # linear transform then message passing (scatter-add by dst)
    h = x @ W_sn.T
    msg = h[src] * norm[:, None]
    out = jnp.zeros((N, F_OUT), dtype=x.dtype).at[dst].add(msg)
    out = out + b
    # PReLU activation
    return jnp.where(out > 0, out, a * out)

if __name__ == "__main__":
    import jax
    _d = setup_inputs()
    print(jax.jit(kernel)(*tuple(_d.values())))

</pallas_src>

<mosaic_0001>
#map = affine_map<(d0, d1) -> (0, 0)>
#map1 = affine_map<(d0, d1) -> (0, 0, 0)>
module attributes {stable_mosaic.version = 14 : i64} {
  func.func @_scatter_kernel(%arg0: i32, %arg1: i32, %arg2: memref<10000x128xf32, #tpu.memory_space<hbm>>, %arg3: memref<32x10000xi32, #tpu.memory_space<hbm>>, %arg4: memref<32x125x80xi32, #tpu.memory_space<hbm>>, %arg5: memref<80x128xf32, #tpu.memory_space<hbm>>, %arg6: memref<2x10240x128xf32, #tpu.memory_space<hbm>>, %arg7: memref<10000xi32, #tpu.memory_space<vmem>>, %arg8: memref<125x80xi32, #tpu.memory_space<vmem>>, %arg9: memref<80x128xf32, #tpu.memory_space<vmem>>, %arg10: memref<80x128xf32, #tpu.memory_space<vmem>>, %arg11: memref<10240x128xf32, #tpu.memory_space<vmem_shared>>, %arg12: memref<!tpu.dma_semaphore, #tpu.memory_space<semaphore_mem>>, %arg13: memref<!tpu.dma_semaphore, #tpu.memory_space<semaphore_mem>>) attributes {dimension_semantics = [#tpu.dimension_semantics<core_parallel>, #tpu.dimension_semantics<subcore_parallel>], iteration_bounds = array<i64: 2, 16>, scalar_prefetch = 0 : i64, scratch_operands = 7 : i64, tpu.core_type = #tpu.core_type<sc_vector_subcore>, window_params = [{transform_indices = #map}, {transform_indices = #map}, {transform_indices = #map1}, {transform_indices = #map}, {transform_indices = #map1}]} {
    %mul3A = arith.constant 16 : i32
    %mul3A_0 = arith.muli %arg0, %mul3A : i32
    %add3A = arith.addi %mul3A_0, %arg1 : i32
    "tpu.region"() ({
      %run_scoped3A_208 = tpu.sem_alloc : memref<!tpu.dma_semaphore, #tpu.memory_space<semaphore_mem>>
      tpu.enqueue_dma source(%arg5 : memref<80x128xf32, #tpu.memory_space<hbm>>) target(%arg9 : memref<80x128xf32, #tpu.memory_space<vmem>>) target_semaphore(%run_scoped3A_208 : memref<!tpu.dma_semaphore, #tpu.memory_space<semaphore_mem>>)
      tpu.wait_dma2 semaphore(%run_scoped3A_208 : memref<!tpu.dma_semaphore, #tpu.memory_space<semaphore_mem>>) src(%arg5 : memref<80x128xf32, #tpu.memory_space<hbm>>) dst(%arg9 : memref<80x128xf32, #tpu.memory_space<vmem>>)
      tpu.yield
    }) : () -> ()
    %mul3A_1 = arith.constant 640 : i32
    %mul3A_2 = arith.muli %arg1, %mul3A_1 : i32
    %add3A_3 = arith.constant 0 : i32
    %add3A_4 = arith.addi %mul3A_2, %add3A_3 : i32
    "tpu.region"() ({
      %run_scoped3A_208 = tpu.sem_alloc : memref<!tpu.dma_semaphore, #tpu.memory_space<semaphore_mem>>
      %dma_start3A_209 = arith.constant 0 : i32
      %dma_start3A_210 = tpu.memref_slice %arg11[%add3A_4, %dma_start3A_209] : memref<10240x128xf32, #tpu.memory_space<vmem_shared>> -> memref<80x128xf32, #tpu.memory_space<vmem_shared>>
      %dma_start3A_211 = arith.constant 0 : i32
      %dma_start3A_212 = tpu.memref_slice %arg11[%add3A_4, %dma_start3A_211] : memref<10240x128xf32, #tpu.memory_space<vmem_shared>> -> memref<80x128xf32, #tpu.memory_space<vmem_shared>>
      tpu.enqueue_dma source(%arg9 : memref<80x128xf32, #tpu.memory_space<vmem>>) target(%dma_start3A_212 : memref<80x128xf32, #tpu.memory_space<vmem_shared>>) target_semaphore(%run_scoped3A_208 : memref<!tpu.dma_semaphore, #tpu.memory_space<semaphore_mem>>)
      %dma_wait3A_213 = arith.constant 0 : i32
      %dma_wait3A_214 = tpu.memref_slice %arg11[%add3A_4, %dma_wait3A_213] : memref<10240x128xf32, #tpu.memory_space<vmem_shared>> -> memref<80x128xf32, #tpu.memory_space<vmem_shared>>
      %dma_wait3A_215 = arith.constant 0 : i32
      %dma_wait3A_216 = tpu.memref_slice %arg11[%add3A_4, %dma_wait3A_215] : memref<10240x128xf32, #tpu.memory_space<vmem_shared>> -> memref<80x128xf32, #tpu.memory_space<vmem_shared>>
      tpu.wait_dma2 semaphore(%run_scoped3A_208 : memref<!tpu.dma_semaphore, #tpu.memory_space<semaphore_mem>>) src(%arg9 : memref<80x128xf32, #tpu.memory_space<vmem>>) dst(%dma_wait3A_216 : memref<80x128xf32, #tpu.memory_space<vmem_shared>>)
      tpu.yield
    }) : () -> ()
    %mul3A_5 = arith.constant 640 : i32
    %mul3A_6 = arith.muli %arg1, %mul3A_5 : i32
    %add3A_7 = arith.constant 80 : i32
    %add3A_8 = arith.addi %mul3A_6, %add3A_7 : i32
    "tpu.region"() ({
      %run_scoped3A_208 = tpu.sem_alloc : memref<!tpu.dma_semaphore, #tpu.memory_space<semaphore_mem>>
      %dma_start3A_209 = arith.constant 0 : i32
      %dma_start3A_210 = tpu.memref_slice %arg11[%add3A_8, %dma_start3A_209] : memref<10240x128xf32, #tpu.memory_space<vmem_shared>> -> memref<80x128xf32, #tpu.memory_space<vmem_shared>>
      %dma_start3A_211 = arith.constant 0 : i32
      %dma_start3A_212 = tpu.memref_slice %arg11[%add3A_8, %dma_start3A_211] : memref<10240x128xf32, #tpu.memory_space<vmem_shared>> -> memref<80x128xf32, #tpu.memory_space<vmem_shared>>
      tpu.enqueue_dma source(%arg9 : memref<80x128xf32, #tpu.memory_space<vmem>>) target(%dma_start3A_212 : memref<80x128xf32, #tpu.memory_space<vmem_shared>>) target_semaphore(%run_scoped3A_208 : memref<!tpu.dma_semaphore, #tpu.memory_space<semaphore_mem>>)
      %dma_wait3A_213 = arith.constant 0 : i32
      %dma_wait3A_214 = tpu.memref_slice %arg11[%add3A_8, %dma_wait3A_213] : memref<10240x128xf32, #tpu.memory_space<vmem_shared>> -> memref<80x128xf32, #tpu.memory_space<vmem_shared>>
      %dma_wait3A_215 = arith.constant 0 : i32
      %dma_wait3A_216 = tpu.memref_slice %arg11[%add3A_8, %dma_wait3A_215] : memref<10240x128xf32, #tpu.memory_space<vmem_shared>> -> memref<80x128xf32, #tpu.memory_space<vmem_shared>>
      tpu.wait_dma2 semaphore(%run_scoped3A_208 : memref<!tpu.dma_semaphore, #tpu.memory_space<semaphore_mem>>) src(%arg9 : memref<80x128xf32, #tpu.memory_space<vmem>>) dst(%dma_wait3A_216 : memref<80x128xf32, #tpu.memory_space<vmem_shared>>)
      tpu.yield
    }) : () -> ()
    %mul3A_9 = arith.constant 640 : i32
    %mul3A_10 = arith.muli %arg1, %mul3A_9 : i32
    %add3A_11 = arith.constant 160 : i32
    %add3A_12 = arith.addi %mul3A_10, %add3A_11 : i32
    "tpu.region"() ({
      %run_scoped3A_208 = tpu.sem_alloc : memref<!tpu.dma_semaphore, #tpu.memory_space<semaphore_mem>>
      %dma_start3A_209 = arith.constant 0 : i32
      %dma_start3A_210 = tpu.memref_slice %arg11[%add3A_12, %dma_start3A_209] : memref<10240x128xf32, #tpu.memory_space<vmem_shared>> -> memref<80x128xf32, #tpu.memory_space<vmem_shared>>
      %dma_start3A_211 = arith.constant 0 : i32
      %dma_start3A_212 = tpu.memref_slice %arg11[%add3A_12, %dma_start3A_211] : memref<10240x128xf32, #tpu.memory_space<vmem_shared>> -> memref<80x128xf32, #tpu.memory_space<vmem_shared>>
      tpu.enqueue_dma source(%arg9 : memref<80x128xf32, #tpu.memory_space<vmem>>) target(%dma_start3A_212 : memref<80x128xf32, #tpu.memory_space<vmem_shared>>) target_semaphore(%run_scoped3A_208 : memref<!tpu.dma_semaphore, #tpu.memory_space<semaphore_mem>>)
      %dma_wait3A_213 = arith.constant 0 : i32
      %dma_wait3A_214 = tpu.memref_slice %arg11[%add3A_12, %dma_wait3A_213] : memref<10240x128xf32, #tpu.memory_space<vmem_shared>> -> memref<80x128xf32, #tpu.memory_space<vmem_shared>>
      %dma_wait3A_215 = arith.constant 0 : i32
      %dma_wait3A_216 = tpu.memref_slice %arg11[%add3A_12, %dma_wait3A_215] : memref<10240x128xf32, #tpu.memory_space<vmem_shared>> -> memref<80x128xf32, #tpu.memory_space<vmem_shared>>
      tpu.wait_dma2 semaphore(%run_scoped3A_208 : memref<!tpu.dma_semaphore, #tpu.memory_space<semaphore_mem>>) src(%arg9 : memref<80x128xf32, #tpu.memory_space<vmem>>) dst(%dma_wait3A_216 : memref<80x128xf32, #tpu.memory_space<vmem_shared>>)
      tpu.yield
    }) : () -> ()
    %mul3A_13 = arith.constant 640 : i32
    %mul3A_14 = arith.muli %arg1, %mul3A_13 : i32
    %add3A_15 = arith.constant 240 : i32
    %add3A_16 = arith.addi %mul3A_14, %add3A_15 : i32
    "tpu.region"() ({
      %run_scoped3A_208 = tpu.sem_alloc : memref<!tpu.dma_semaphore, #tpu.memory_space<semaphore_mem>>
      %dma_start3A_209 = arith.constant 0 : i32
      %dma_start3A_210 = tpu.memref_slice %arg11[%add3A_16, %dma_start3A_209] : memref<10240x128xf32, #tpu.memory_space<vmem_shared>> -> memref<80x128xf32, #tpu.memory_space<vmem_shared>>
      %dma_start3A_211 = arith.constant 0 : i32
      %dma_start3A_212 = tpu.memref_slice %arg11[%add3A_16, %dma_start3A_211] : memref<10240x128xf32, #tpu.memory_space<vmem_shared>> -> memref<80x128xf32, #tpu.memory_space<vmem_shared>>
      tpu.enqueue_dma source(%arg9 : memref<80x128xf32, #tpu.memory_space<vmem>>) target(%dma_start3A_212 : memref<80x128xf32, #tpu.memory_space<vmem_shared>>) target_semaphore(%run_scoped3A_208 : memref<!tpu.dma_semaphore, #tpu.memory_space<semaphore_mem>>)
      %dma_wait3A_213 = arith.constant 0 : i32
      %dma_wait3A_214 = tpu.memref_slice %arg11[%add3A_16, %dma_wait3A_213] : memref<10240x128xf32, #tpu.memory_space<vmem_shared>> -> memref<80x128xf32, #tpu.memory_space<vmem_shared>>
      %dma_wait3A_215 = arith.constant 0 : i32
      %dma_wait3A_216 = tpu.memref_slice %arg11[%add3A_16, %dma_wait3A_215] : memref<10240x128xf32, #tpu.memory_space<vmem_shared>> -> memref<80x128xf32, #tpu.memory_space<vmem_shared>>
      tpu.wait_dma2 semaphore(%run_scoped3A_208 : memref<!tpu.dma_semaphore, #tpu.memory_space<semaphore_mem>>) src(%arg9 : memref<80x128xf32, #tpu.memory_space<vmem>>) dst(%dma_wait3A_216 : memref<80x128xf32, #tpu.memory_space<vmem_shared>>)
      tpu.yield
    }) : () -> ()
    %mul3A_17 = arith.constant 640 : i32
    %mul3A_18 = arith.muli %arg1, %mul3A_17 : i32
    %add3A_19 = arith.constant 320 : i32
    %add3A_20 = arith.addi %mul3A_18, %add3A_19 : i32
    "tpu.region"() ({
      %run_scoped3A_208 = tpu.sem_alloc : memref<!tpu.dma_semaphore, #tpu.memory_space<semaphore_mem>>
      %dma_start3A_209 = arith.constant 0 : i32
      %dma_start3A_210 = tpu.memref_slice %arg11[%add3A_20, %dma_start3A_209] : memref<10240x128xf32, #tpu.memory_space<vmem_shared>> -> memref<80x128xf32, #tpu.memory_space<vmem_shared>>
      %dma_start3A_211 = arith.constant 0 : i32
      %dma_start3A_212 = tpu.memref_slice %arg11[%add3A_20, %dma_start3A_211] : memref<10240x128xf32, #tpu.memory_space<vmem_shared>> -> memref<80x128xf32, #tpu.memory_space<vmem_shared>>
      tpu.enqueue_dma source(%arg9 : memref<80x128xf32, #tpu.memory_space<vmem>>) target(%dma_start3A_212 : memref<80x128xf32, #tpu.memory_space<vmem_shared>>) target_semaphore(%run_scoped3A_208 : memref<!tpu.dma_semaphore, #tpu.memory_space<semaphore_mem>>)
      %dma_wait3A_213 = arith.constant 0 : i32
      %dma_wait3A_214 = tpu.memref_slice %arg11[%add3A_20, %dma_wait3A_213] : memref<10240x128xf32, #tpu.memory_space<vmem_shared>> -> memref<80x128xf32, #tpu.memory_space<vmem_shared>>
      %dma_wait3A_215 = arith.constant 0 : i32
      %dma_wait3A_216 = tpu.memref_slice %arg11[%add3A_20, %dma_wait3A_215] : memref<10240x128xf32, #tpu.memory_space<vmem_shared>> -> memref<80x128xf32, #tpu.memory_space<vmem_shared>>
      tpu.wait_dma2 semaphore(%run_scoped3A_208 : memref<!tpu.dma_semaphore, #tpu.memory_space<semaphore_mem>>) src(%arg9 : memref<80x128xf32, #tpu.memory_space<vmem>>) dst(%dma_wait3A_216 : memref<80x128xf32, #tpu.memory_space<vmem_shared>>)
      tpu.yield
    }) : () -> ()
    %mul3A_21 = arith.constant 640 : i32
    %mul3A_22 = arith.muli %arg1, %mul3A_21 : i32
    %add3A_23 = arith.constant 400 : i32
    %add3A_24 = arith.addi %mul3A_22, %add3A_23 : i32
    "tpu.region"() ({
      %run_scoped3A_208 = tpu.sem_alloc : memref<!tpu.dma_semaphore, #tpu.memory_space<semaphore_mem>>
      %dma_start3A_209 = arith.constant 0 : i32
      %dma_start3A_210 = tpu.memref_slice %arg11[%add3A_24, %dma_start3A_209] : memref<10240x128xf32, #tpu.memory_space<vmem_shared>> -> memref<80x128xf32, #tpu.memory_space<vmem_shared>>
      %dma_start3A_211 = arith.constant 0 : i32
      %dma_start3A_212 = tpu.memref_slice %arg11[%add3A_24, %dma_start3A_211] : memref<10240x128xf32, #tpu.memory_space<vmem_shared>> -> memref<80x128xf32, #tpu.memory_space<vmem_shared>>
      tpu.enqueue_dma source(%arg9 : memref<80x128xf32, #tpu.memory_space<vmem>>) target(%dma_start3A_212 : memref<80x128xf32, #tpu.memory_space<vmem_shared>>) target_semaphore(%run_scoped3A_208 : memref<!tpu.dma_semaphore, #tpu.memory_space<semaphore_mem>>)
      %dma_wait3A_213 = arith.constant 0 : i32
      %dma_wait3A_214 = tpu.memref_slice %arg11[%add3A_24, %dma_wait3A_213] : memref<10240x128xf32, #tpu.memory_space<vmem_shared>> -> memref<80x128xf32, #tpu.memory_space<vmem_shared>>
      %dma_wait3A_215 = arith.constant 0 : i32
      %dma_wait3A_216 = tpu.memref_slice %arg11[%add3A_24, %dma_wait3A_215] : memref<10240x128xf32, #tpu.memory_space<vmem_shared>> -> memref<80x128xf32, #tpu.memory_space<vmem_shared>>
      tpu.wait_dma2 semaphore(%run_scoped3A_208 : memref<!tpu.dma_semaphore, #tpu.memory_space<semaphore_mem>>) src(%arg9 : memref<80x128xf32, #tpu.memory_space<vmem>>) dst(%dma_wait3A_216 : memref<80x128xf32, #tpu.memory_space<vmem_shared>>)
      tpu.yield
    }) : () -> ()
    %mul3A_25 = arith.constant 640 : i32
    %mul3A_26 = arith.muli %arg1, %mul3A_25 : i32
    %add3A_27 = arith.constant 480 : i32
    %add3A_28 = arith.addi %mul3A_26, %add3A_27 : i32
    "tpu.region"() ({
      %run_scoped3A_208 = tpu.sem_alloc : memref<!tpu.dma_semaphore, #tpu.memory_space<semaphore_mem>>
      %dma_start3A_209 = arith.constant 0 : i32
      %dma_start3A_210 = tpu.memref_slice %arg11[%add3A_28, %dma_start3A_209] : memref<10240x128xf32, #tpu.memory_space<vmem_shared>> -> memref<80x128xf32, #tpu.memory_space<vmem_shared>>
      %dma_start3A_211 = arith.constant 0 : i32
      %dma_start3A_212 = tpu.memref_slice %arg11[%add3A_28, %dma_start3A_211] : memref<10240x128xf32, #tpu.memory_space<vmem_shared>> -> memref<80x128xf32, #tpu.memory_space<vmem_shared>>
      tpu.enqueue_dma source(%arg9 : memref<80x128xf32, #tpu.memory_space<vmem>>) target(%dma_start3A_212 : memref<80x128xf32, #tpu.memory_space<vmem_shared>>) target_semaphore(%run_scoped3A_208 : memref<!tpu.dma_semaphore, #tpu.memory_space<semaphore_mem>>)
      %dma_wait3A_213 = arith.constant 0 : i32
      %dma_wait3A_214 = tpu.memref_slice %arg11[%add3A_28, %dma_wait3A_213] : memref<10240x128xf32, #tpu.memory_space<vmem_shared>> -> memref<80x128xf32, #tpu.memory_space<vmem_shared>>
      %dma_wait3A_215 = arith.constant 0 : i32
      %dma_wait3A_216 = tpu.memref_slice %arg11[%add3A_28, %dma_wait3A_215] : memref<10240x128xf32, #tpu.memory_space<vmem_shared>> -> memref<80x128xf32, #tpu.memory_space<vmem_shared>>
      tpu.wait_dma2 semaphore(%run_scoped3A_208 : memref<!tpu.dma_semaphore, #tpu.memory_space<semaphore_mem>>) src(%arg9 : memref<80x128xf32, #tpu.memory_space<vmem>>) dst(%dma_wait3A_216 : memref<80x128xf32, #tpu.memory_space<vmem_shared>>)
      tpu.yield
    }) : () -> ()
    %mul3A_29 = arith.constant 640 : i32
    %mul3A_30 = arith.muli %arg1, %mul3A_29 : i32
    %add3A_31 = arith.constant 560 : i32
    %add3A_32 = arith.addi %mul3A_30, %add3A_31 : i32
    "tpu.region"() ({
      %run_scoped3A_208 = tpu.sem_alloc : memref<!tpu.dma_semaphore, #tpu.memory_space<semaphore_mem>>
      %dma_start3A_209 = arith.constant 0 : i32
      %dma_start3A_210 = tpu.memref_slice %arg11[%add3A_32, %dma_start3A_209] : memref<10240x128xf32, #tpu.memory_space<vmem_shared>> -> memref<80x128xf32, #tpu.memory_space<vmem_shared>>
      %dma_start3A_211 = arith.constant 0 : i32
      %dma_start3A_212 = tpu.memref_slice %arg11[%add3A_32, %dma_start3A_211] : memref<10240x128xf32, #tpu.memory_space<vmem_shared>> -> memref<80x128xf32, #tpu.memory_space<vmem_shared>>
      tpu.enqueue_dma source(%arg9 : memref<80x128xf32, #tpu.memory_space<vmem>>) target(%dma_start3A_212 : memref<80x128xf32, #tpu.memory_space<vmem_shared>>) target_semaphore(%run_scoped3A_208 : memref<!tpu.dma_semaphore, #tpu.memory_space<semaphore_mem>>)
      %dma_wait3A_213 = arith.constant 0 : i32
      %dma_wait3A_214 = tpu.memref_slice %arg11[%add3A_32, %dma_wait3A_213] : memref<10240x128xf32, #tpu.memory_space<vmem_shared>> -> memref<80x128xf32, #tpu.memory_space<vmem_shared>>
      %dma_wait3A_215 = arith.constant 0 : i32
      %dma_wait3A_216 = tpu.memref_slice %arg11[%add3A_32, %dma_wait3A_215] : memref<10240x128xf32, #tpu.memory_space<vmem_shared>> -> memref<80x128xf32, #tpu.memory_space<vmem_shared>>
      tpu.wait_dma2 semaphore(%run_scoped3A_208 : memref<!tpu.dma_semaphore, #tpu.memory_space<semaphore_mem>>) src(%arg9 : memref<80x128xf32, #tpu.memory_space<vmem>>) dst(%dma_wait3A_216 : memref<80x128xf32, #tpu.memory_space<vmem_shared>>)
      tpu.yield
    }) : () -> ()
    "tpu.region"() ({
      %run_scoped3A_208 = tpu.sem_alloc : memref<!tpu.dma_semaphore, #tpu.memory_space<semaphore_mem>>
      %dma_start3A_209 = arith.constant 0 : i32
      %dma_start3A_210 = tpu.memref_slice %arg3[%add3A, %dma_start3A_209] : memref<32x10000xi32, #tpu.memory_space<hbm>> -> memref<1x10000xi32, #tpu.memory_space<hbm>>
      %dma_start3A_211 = tpu.memref_squeeze %dma_start3A_210 : memref<1x10000xi32, #tpu.memory_space<hbm>> -> memref<10000xi32, #tpu.memory_space<hbm>>
      %dma_start3A_212 = arith.constant 0 : i32
      %dma_start3A_213 = tpu.memref_slice %arg3[%add3A, %dma_start3A_212] : memref<32x10000xi32, #tpu.memory_space<hbm>> -> memref<1x10000xi32, #tpu.memory_space<hbm>>
      %dma_start3A_214 = tpu.memref_squeeze %dma_start3A_213 : memref<1x10000xi32, #tpu.memory_space<hbm>> -> memref<10000xi32, #tpu.memory_space<hbm>>
      tpu.enqueue_dma source(%dma_start3A_214 : memref<10000xi32, #tpu.memory_space<hbm>>) target(%arg7 : memref<10000xi32, #tpu.memory_space<vmem>>) target_semaphore(%run_scoped3A_208 : memref<!tpu.dma_semaphore, #tpu.memory_space<semaphore_mem>>)
      %dma_wait3A_215 = arith.constant 0 : i32
      %dma_wait3A_216 = tpu.memref_slice %arg3[%add3A, %dma_wait3A_215] : memref<32x10000xi32, #tpu.memory_space<hbm>> -> memref<1x10000xi32, #tpu.memory_space<hbm>>
      %dma_wait3A_217 = tpu.memref_squeeze %dma_wait3A_216 : memref<1x10000xi32, #tpu.memory_space<hbm>> -> memref<10000xi32, #tpu.memory_space<hbm>>
      %dma_wait3A_218 = arith.constant 0 : i32
      %dma_wait3A_219 = tpu.memref_slice %arg3[%add3A, %dma_wait3A_218] : memref<32x10000xi32, #tpu.memory_space<hbm>> -> memref<1x10000xi32, #tpu.memory_space<hbm>>
      %dma_wait3A_220 = tpu.memref_squeeze %dma_wait3A_219 : memref<1x10000xi32, #tpu.memory_space<hbm>> -> memref<10000xi32, #tpu.memory_space<hbm>>
      tpu.wait_dma2 semaphore(%run_scoped3A_208 : memref<!tpu.dma_semaphore, #tpu.memory_space<semaphore_mem>>) src(%dma_wait3A_220 : memref<10000xi32, #tpu.memory_space<hbm>>) dst(%arg7 : memref<10000xi32, #tpu.memory_space<vmem>>)
      tpu.yield
    }) : () -> ()
    "tpu.region"() ({
      %run_scoped3A_208 = tpu.sem_alloc : memref<!tpu.dma_semaphore, #tpu.memory_space<semaphore_mem>>
      %dma_start3A_209 = arith.constant 0 : i32
      %dma_start3A_210 = arith.constant 0 : i32
      %dma_start3A_211 = tpu.memref_slice %arg4[%add3A, %dma_start3A_209, %dma_start3A_210] : memref<32x125x80xi32, #tpu.memory_space<hbm>> -> memref<1x125x80xi32, #tpu.memory_space<hbm>>
      %dma_start3A_212 = tpu.memref_squeeze %dma_start3A_211 : memref<1x125x80xi32, #tpu.memory_space<hbm>> -> memref<125x80xi32, #tpu.memory_space<hbm>>
      %dma_start3A_213 = arith.constant 0 : i32
      %dma_start3A_214 = arith.constant 0 : i32
      %dma_start3A_215 = tpu.memref_slice %arg4[%add3A, %dma_start3A_213, %dma_start3A_214] : memref<32x125x80xi32, #tpu.memory_space<hbm>> -> memref<1x125x80xi32, #tpu.memory_space<hbm>>
      %dma_start3A_216 = tpu.memref_squeeze %dma_start3A_215 : memref<1x125x80xi32, #tpu.memory_space<hbm>> -> memref<125x80xi32, #tpu.memory_space<hbm>>
      tpu.enqueue_dma source(%dma_start3A_216 : memref<125x80xi32, #tpu.memory_space<hbm>>) target(%arg8 : memref<125x80xi32, #tpu.memory_space<vmem>>) target_semaphore(%run_scoped3A_208 : memref<!tpu.dma_semaphore, #tpu.memory_space<semaphore_mem>>)
      %dma_wait3A_217 = arith.constant 0 : i32
      %dma_wait3A_218 = arith.constant 0 : i32
      %dma_wait3A_219 = tpu.memref_slice %arg4[%add3A, %dma_wait3A_217, %dma_wait3A_218] : memref<32x125x80xi32, #tpu.memory_space<hbm>> -> memref<1x125x80xi32, #tpu.memory_space<hbm>>
      %dma_wait3A_220 = tpu.memref_squeeze %dma_wait3A_219 : memref<1x125x80xi32, #tpu.memory_space<hbm>> -> memref<125x80xi32, #tpu.memory_space<hbm>>
      %dma_wait3A_221 = arith.constant 0 : i32
      %dma_wait3A_222 = arith.constant 0 : i32
      %dma_wait3A_223 = tpu.memref_slice %arg4[%add3A, %dma_wait3A_221, %dma_wait3A_222] : memref<32x125x80xi32, #tpu.memory_space<hbm>> -> memref<1x125x80xi32, #tpu.memory_space<hbm>>
      %dma_wait3A_224 = tpu.memref_squeeze %dma_wait3A_223 : memref<1x125x80xi32, #tpu.memory_space<hbm>> -> memref<125x80xi32, #tpu.memory_space<hbm>>
      tpu.wait_dma2 semaphore(%run_scoped3A_208 : memref<!tpu.dma_semaphore, #tpu.memory_space<semaphore_mem>>) src(%dma_wait3A_224 : memref<125x80xi32, #tpu.memory_space<hbm>>) dst(%arg8 : memref<125x80xi32, #tpu.memory_space<vmem>>)
      tpu.yield
    }) : () -> ()
    %barrier3A = arith.constant 0 : index
    tpu.barrier barrier_id(%barrier3A)
    %dma_start3A = arith.constant 0 : i32
    %dma_start3A_33 = tpu.memref_slice %arg7[%dma_start3A] : memref<10000xi32, #tpu.memory_space<vmem>> -> memref<80xi32, #tpu.memory_space<vmem>>
    %dma_start3A_34 = arith.constant 0 : i32
    %dma_start3A_35 = arith.constant 0 : i32
    %dma_start3A_36 = tpu.memref_slice %arg2[%dma_start3A_34, %dma_start3A_35] : memref<10000x128xf32, #tpu.memory_space<hbm>> -> memref<10000x128xf32, #tpu.memory_space<hbm>>
    tpu.enqueue_indirect_dma source(%dma_start3A_36 : memref<10000x128xf32, #tpu.memory_space<hbm>>) target(%arg9 : memref<80x128xf32, #tpu.memory_space<vmem>>) offsets(%dma_start3A_33 : memref<80xi32, #tpu.memory_space<vmem>>) semaphore(%arg12 : memref<!tpu.dma_semaphore, #tpu.memory_space<semaphore_mem>>)
    %scan3A = arith.constant 0 : i32
    %scan3A_37 = arith.constant 0 : i32
    %scan3A_38 = arith.constant 62 : i32
    %scan3A_39 = arith.addi %scan3A_37, %scan3A_38 : i32
    %scan3A_40 = arith.constant 1 : i32
    scf.for %scan3A_208 = %scan3A_37 to %scan3A_39 step %scan3A_40  : i32 {
      %mul3A_209 = arith.constant 2 : i32
      %mul3A_210 = arith.muli %mul3A_209, %scan3A_208 : i32
      %add3A_211 = arith.constant 1 : i32
      %add3A_212 = arith.addi %mul3A_210, %add3A_211 : i32
      %mul3A_213 = arith.constant 80 : i32
      %mul3A_214 = arith.muli %add3A_212, %mul3A_213 : i32
      %dma_start3A_215 = tpu.memref_slice %arg7[%mul3A_214] : memref<10000xi32, #tpu.memory_space<vmem>> -> memref<80xi32, #tpu.memory_space<vmem>>
      %dma_start3A_216 = arith.constant 0 : i32
      %dma_start3A_217 = arith.constant 0 : i32
      %dma_start3A_218 = tpu.memref_slice %arg2[%dma_start3A_216, %dma_start3A_217] : memref<10000x128xf32, #tpu.memory_space<hbm>> -> memref<10000x128xf32, #tpu.memory_space<hbm>>
      tpu.enqueue_indirect_dma source(%dma_start3A_218 : memref<10000x128xf32, #tpu.memory_space<hbm>>) target(%arg10 : memref<80x128xf32, #tpu.memory_space<vmem>>) offsets(%dma_start3A_215 : memref<80xi32, #tpu.memory_space<vmem>>) semaphore(%arg13 : memref<!tpu.dma_semaphore, #tpu.memory_space<semaphore_mem>>)
      %dma_wait3A_219 = arith.constant 0 : i32
      %dma_wait3A_220 = arith.constant 0 : i32
      %dma_wait3A_221 = tpu.memref_slice %arg2[%dma_wait3A_219, %dma_wait3A_220] : memref<10000x128xf32, #tpu.memory_space<hbm>> -> memref<80x128xf32, #tpu.memory_space<hbm>>
      %dma_wait3A_222 = arith.constant 0 : i32
      %dma_wait3A_223 = arith.constant 0 : i32
      %dma_wait3A_224 = tpu.memref_slice %arg2[%dma_wait3A_222, %dma_wait3A_223] : memref<10000x128xf32, #tpu.memory_space<hbm>> -> memref<80x128xf32, #tpu.memory_space<hbm>>
      tpu.wait_dma2 semaphore(%arg12 : memref<!tpu.dma_semaphore, #tpu.memory_space<semaphore_mem>>) src(%dma_wait3A_224 : memref<80x128xf32, #tpu.memory_space<hbm>>) dst(%arg9 : memref<80x128xf32, #tpu.memory_space<vmem>>)
      "tpu.region"() ({
        %run_scoped3A_241 = tpu.sem_alloc : memref<!tpu.dma_semaphore, #tpu.memory_space<semaphore_mem>>
        %dma_start3A_242 = arith.constant 0 : i32
        %dma_start3A_243 = tpu.memref_slice %arg8[%mul3A_210, %dma_start3A_242] : memref<125x80xi32, #tpu.memory_space<vmem>> -> memref<1x80xi32, #tpu.memory_space<vmem>>
        %dma_start3A_244 = tpu.memref_squeeze %dma_start3A_243 : memref<1x80xi32, #tpu.memory_space<vmem>> -> memref<80xi32, #tpu.memory_space<vmem>>
        %dma_start3A_245 = arith.constant 0 : i32
        %dma_start3A_246 = arith.constant 0 : i32
        %dma_start3A_247 = tpu.memref_slice %arg11[%dma_start3A_245, %dma_start3A_246] : memref<10240x128xf32, #tpu.memory_space<vmem_shared>> -> memref<10240x128xf32, #tpu.memory_space<vmem_shared>>
        tpu.enqueue_indirect_dma source(%arg9 : memref<80x128xf32, #tpu.memory_space<vmem>>) target(%dma_start3A_247 : memref<10240x128xf32, #tpu.memory_space<vmem_shared>>) offsets(%dma_start3A_244 : memref<80xi32, #tpu.memory_space<vmem>>) semaphore(%run_scoped3A_241 : memref<!tpu.dma_semaphore, #tpu.memory_space<semaphore_mem>>) {add = true}
        %dma_wait3A_248 = arith.constant 0 : i32
        %dma_wait3A_249 = tpu.memref_slice %arg8[%mul3A_210, %dma_wait3A_248] : memref<125x80xi32, #tpu.memory_space<vmem>> -> memref<1x80xi32, #tpu.memory_space<vmem>>
        %dma_wait3A_250 = tpu.memref_squeeze %dma_wait3A_249 : memref<1x80xi32, #tpu.memory_space<vmem>> -> memref<80xi32, #tpu.memory_space<vmem>>
        %dma_wait3A_251 = arith.constant 0 : i32
        %dma_wait3A_252 = arith.constant 0 : i32
        %dma_wait3A_253 = tpu.memref_slice %arg11[%dma_wait3A_251, %dma_wait3A_252] : memref<10240x128xf32, #tpu.memory_space<vmem_shared>> -> memref<10240x128xf32, #tpu.memory_space<vmem_shared>>
        tpu.wait_indirect_dma semaphore(%run_scoped3A_241 : memref<!tpu.dma_semaphore, #tpu.memory_space<semaphore_mem>>) src(%arg9 : memref<80x128xf32, #tpu.memory_space<vmem>>) dst(%dma_wait3A_253 : memref<10240x128xf32, #tpu.memory_space<vmem_shared>>)
        tpu.yield
      }) : () -> ()
      %add3A_225 = arith.constant 2 : i32
      %add3A_226 = arith.addi %mul3A_210, %add3A_225 : i32
      %mul3A_227 = arith.constant 80 : i32
      %mul3A_228 = arith.muli %add3A_226, %mul3A_227 : i32
      %dma_start3A_229 = tpu.memref_slice %arg7[%mul3A_228] : memref<10000xi32, #tpu.memory_space<vmem>> -> memref<80xi32, #tpu.memory_space<vmem>>
      %dma_start3A_230 = arith.constant 0 : i32
      %dma_start3A_231 = arith.constant 0 : i32
      %dma_start3A_232 = tpu.memref_slice %arg2[%dma_start3A_230, %dma_start3A_231] : memref<10000x128xf32, #tpu.memory_space<hbm>> -> memref<10000x128xf32, #tpu.memory_space<hbm>>
      tpu.enqueue_indirect_dma source(%dma_start3A_232 : memref<10000x128xf32, #tpu.memory_space<hbm>>) target(%arg9 : memref<80x128xf32, #tpu.memory_space<vmem>>) offsets(%dma_start3A_229 : memref<80xi32, #tpu.memory_space<vmem>>) semaphore(%arg12 : memref<!tpu.dma_semaphore, #tpu.memory_space<semaphore_mem>>)
      %dma_wait3A_233 = arith.constant 0 : i32
      %dma_wait3A_234 = arith.constant 0 : i32
      %dma_wait3A_235 = tpu.memref_slice %arg2[%dma_wait3A_233, %dma_wait3A_234] : memref<10000x128xf32, #tpu.memory_space<hbm>> -> memref<80x128xf32, #tpu.memory_space<hbm>>
      %dma_wait3A_236 = arith.constant 0 : i32
      %dma_wait3A_237 = arith.constant 0 : i32
      %dma_wait3A_238 = tpu.memref_slice %arg2[%dma_wait3A_236, %dma_wait3A_237] : memref<10000x128xf32, #tpu.memory_space<hbm>> -> memref<80x128xf32, #tpu.memory_space<hbm>>
      tpu.wait_dma2 semaphore(%arg13 : memref<!tpu.dma_semaphore, #tpu.memory_space<semaphore_mem>>) src(%dma_wait3A_238 : memref<80x128xf32, #tpu.memory_space<hbm>>) dst(%arg10 : memref<80x128xf32, #tpu.memory_space<vmem>>)
      %add3A_239 = arith.constant 1 : i32
      %add3A_240 = arith.addi %mul3A_210, %add3A_239 : i32
      "tpu.region"() ({
        %run_scoped3A_241 = tpu.sem_alloc : memref<!tpu.dma_semaphore, #tpu.memory_space<semaphore_mem>>
        %dma_start3A_242 = arith.constant 0 : i32
        %dma_start3A_243 = tpu.memref_slice %arg8[%add3A_240, %dma_start3A_242] : memref<125x80xi32, #tpu.memory_space<vmem>> -> memref<1x80xi32, #tpu.memory_space<vmem>>
        %dma_start3A_244 = tpu.memref_squeeze %dma_start3A_243 : memref<1x80xi32, #tpu.memory_space<vmem>> -> memref<80xi32, #tpu.memory_space<vmem>>
        %dma_start3A_245 = arith.constant 0 : i32
        %dma_start3A_246 = arith.constant 0 : i32
        %dma_start3A_247 = tpu.memref_slice %arg11[%dma_start3A_245, %dma_start3A_246] : memref<10240x128xf32, #tpu.memory_space<vmem_shared>> -> memref<10240x128xf32, #tpu.memory_space<vmem_shared>>
        tpu.enqueue_indirect_dma source(%arg10 : memref<80x128xf32, #tpu.memory_space<vmem>>) target(%dma_start3A_247 : memref<10240x128xf32, #tpu.memory_space<vmem_shared>>) offsets(%dma_start3A_244 : memref<80xi32, #tpu.memory_space<vmem>>) semaphore(%run_scoped3A_241 : memref<!tpu.dma_semaphore, #tpu.memory_space<semaphore_mem>>) {add = true}
        %dma_wait3A_248 = arith.constant 0 : i32
        %dma_wait3A_249 = tpu.memref_slice %arg8[%add3A_240, %dma_wait3A_248] : memref<125x80xi32, #tpu.memory_space<vmem>> -> memref<1x80xi32, #tpu.memory_space<vmem>>
        %dma_wait3A_250 = tpu.memref_squeeze %dma_wait3A_249 : memref<1x80xi32, #tpu.memory_space<vmem>> -> memref<80xi32, #tpu.memory_space<vmem>>
        %dma_wait3A_251 = arith.constant 0 : i32
        %dma_wait3A_252 = arith.constant 0 : i32
        %dma_wait3A_253 = tpu.memref_slice %arg11[%dma_wait3A_251, %dma_wait3A_252] : memref<10240x128xf32, #tpu.memory_space<vmem_shared>> -> memref<10240x128xf32, #tpu.memory_space<vmem_shared>>
        tpu.wait_indirect_dma semaphore(%run_scoped3A_241 : memref<!tpu.dma_semaphore, #tpu.memory_space<semaphore_mem>>) src(%arg10 : memref<80x128xf32, #tpu.memory_space<vmem>>) dst(%dma_wait3A_253 : memref<10240x128xf32, #tpu.memory_space<vmem_shared>>)
        tpu.yield
      }) : () -> ()
    }
    %scan3A_41 = arith.constant 62 : i32
    %dma_wait3A = arith.constant 0 : i32
    %dma_wait3A_42 = arith.constant 0 : i32
    %dma_wait3A_43 = tpu.memref_slice %arg2[%dma_wait3A, %dma_wait3A_42] : memref<10000x128xf32, #tpu.memory_space<hbm>> -> memref<80x128xf32, #tpu.memory_space<hbm>>
    %dma_wait3A_44 = arith.constant 0 : i32
    %dma_wait3A_45 = arith.constant 0 : i32
    %dma_wait3A_46 = tpu.memref_slice %arg2[%dma_wait3A_44, %dma_wait3A_45] : memref<10000x128xf32, #tpu.memory_space<hbm>> -> memref<80x128xf32, #tpu.memory_space<hbm>>
    tpu.wait_dma2 semaphore(%arg12 : memref<!tpu.dma_semaphore, #tpu.memory_space<semaphore_mem>>) src(%dma_wait3A_46 : memref<80x128xf32, #tpu.memory_space<hbm>>) dst(%arg9 : memref<80x128xf32, #tpu.memory_space<vmem>>)
    %run_scoped3A = arith.constant 124 : i32
    "tpu.region"() ({
      %run_scoped3A_208 = tpu.sem_alloc : memref<!tpu.dma_semaphore, #tpu.memory_space<semaphore_mem>>
      %dma_start3A_209 = arith.constant 0 : i32
      %dma_start3A_210 = tpu.memref_slice %arg8[%run_scoped3A, %dma_start3A_209] : memref<125x80xi32, #tpu.memory_space<vmem>> -> memref<1x80xi32, #tpu.memory_space<vmem>>
      %dma_start3A_211 = tpu.memref_squeeze %dma_start3A_210 : memref<1x80xi32, #tpu.memory_space<vmem>> -> memref<80xi32, #tpu.memory_space<vmem>>
      %dma_start3A_212 = arith.constant 0 : i32
      %dma_start3A_213 = arith.constant 0 : i32
      %dma_start3A_214 = tpu.memref_slice %arg11[%dma_start3A_212, %dma_start3A_213] : memref<10240x128xf32, #tpu.memory_space<vmem_shared>> -> memref<10240x128xf32, #tpu.memory_space<vmem_shared>>
      tpu.enqueue_indirect_dma source(%arg9 : memref<80x128xf32, #tpu.memory_space<vmem>>) target(%dma_start3A_214 : memref<10240x128xf32, #tpu.memory_space<vmem_shared>>) offsets(%dma_start3A_211 : memref<80xi32, #tpu.memory_space<vmem>>) semaphore(%run_scoped3A_208 : memref<!tpu.dma_semaphore, #tpu.memory_space<semaphore_mem>>) {add = true}
      %dma_wait3A_215 = arith.constant 0 : i32
      %dma_wait3A_216 = tpu.memref_slice %arg8[%run_scoped3A, %dma_wait3A_215] : memref<125x80xi32, #tpu.memory_space<vmem>> -> memref<1x80xi32, #tpu.memory_space<vmem>>
      %dma_wait3A_217 = tpu.memref_squeeze %dma_wait3A_216 : memref<1x80xi32, #tpu.memory_space<vmem>> -> memref<80xi32, #tpu.memory_space<vmem>>
      %dma_wait3A_218 = arith.constant 0 : i32
      %dma_wait3A_219 = arith.constant 0 : i32
      %dma_wait3A_220 = tpu.memref_slice %arg11[%dma_wait3A_218, %dma_wait3A_219] : memref<10240x128xf32, #tpu.memory_space<vmem_shared>> -> memref<10240x128xf32, #tpu.memory_space<vmem_shared>>
      tpu.wait_indirect_dma semaphore(%run_scoped3A_208 : memref<!tpu.dma_semaphore, #tpu.memory_space<semaphore_mem>>) src(%arg9 : memref<80x128xf32, #tpu.memory_space<vmem>>) dst(%dma_wait3A_220 : memref<10240x128xf32, #tpu.memory_space<vmem_shared>>)
      tpu.yield
    }) : () -> ()
    %barrier3A_47 = arith.constant 0 : index
    tpu.barrier barrier_id(%barrier3A_47)
    %mul3A_48 = arith.constant 640 : i32
    %mul3A_49 = arith.muli %arg1, %mul3A_48 : i32
    %add3A_50 = arith.constant 0 : i32
    %add3A_51 = arith.addi %mul3A_49, %add3A_50 : i32
    "tpu.region"() ({
      %run_scoped3A_208 = tpu.sem_alloc : memref<!tpu.dma_semaphore, #tpu.memory_space<semaphore_mem>>
      %dma_start3A_209 = arith.constant 0 : i32
      %dma_start3A_210 = tpu.memref_slice %arg11[%add3A_51, %dma_start3A_209] : memref<10240x128xf32, #tpu.memory_space<vmem_shared>> -> memref<80x128xf32, #tpu.memory_space<vmem_shared>>
      %dma_start3A_211 = arith.constant 0 : i32
      %dma_start3A_212 = tpu.memref_slice %arg11[%add3A_51, %dma_start3A_211] : memref<10240x128xf32, #tpu.memory_space<vmem_shared>> -> memref<80x128xf32, #tpu.memory_space<vmem_shared>>
      tpu.enqueue_dma source(%dma_start3A_212 : memref<80x128xf32, #tpu.memory_space<vmem_shared>>) target(%arg9 : memref<80x128xf32, #tpu.memory_space<vmem>>) target_semaphore(%run_scoped3A_208 : memref<!tpu.dma_semaphore, #tpu.memory_space<semaphore_mem>>)
      %dma_wait3A_213 = arith.constant 0 : i32
      %dma_wait3A_214 = tpu.memref_slice %arg11[%add3A_51, %dma_wait3A_213] : memref<10240x128xf32, #tpu.memory_space<vmem_shared>> -> memref<80x128xf32, #tpu.memory_space<vmem_shared>>
      %dma_wait3A_215 = arith.constant 0 : i32
      %dma_wait3A_216 = tpu.memref_slice %arg11[%add3A_51, %dma_wait3A_215] : memref<10240x128xf32, #tpu.memory_space<vmem_shared>> -> memref<80x128xf32, #tpu.memory_space<vmem_shared>>
      tpu.wait_dma2 semaphore(%run_scoped3A_208 : memref<!tpu.dma_semaphore, #tpu.memory_space<semaphore_mem>>) src(%dma_wait3A_216 : memref<80x128xf32, #tpu.memory_space<vmem_shared>>) dst(%arg9 : memref<80x128xf32, #tpu.memory_space<vmem>>)
      tpu.yield
    }) : () -> ()
    %mul3A_52 = arith.constant 640 : i32
    %mul3A_53 = arith.muli %arg1, %mul3A_52 : i32
    %add3A_54 = arith.constant 0 : i32
    %add3A_55 = arith.addi %mul3A_53, %add3A_54 : i32
    %dma_start3A_56 = arith.constant 0 : i32
    %dma_start3A_57 = tpu.memref_slice %arg6[%arg0, %add3A_55, %dma_start3A_56] : memref<2x10240x128xf32, #tpu.memory_space<hbm>> -> memref<1x80x128xf32, #tpu.memory_space<hbm>>
    %dma_start3A_58 = tpu.memref_squeeze %dma_start3A_57 : memref<1x80x128xf32, #tpu.memory_space<hbm>> -> memref<80x128xf32, #tpu.memory_space<hbm>>
    %dma_start3A_59 = arith.constant 0 : i32
    %dma_start3A_60 = tpu.memref_slice %arg6[%arg0, %add3A_55, %dma_start3A_59] : memref<2x10240x128xf32, #tpu.memory_space<hbm>> -> memref<1x80x128xf32, #tpu.memory_space<hbm>>
    %dma_start3A_61 = tpu.memref_squeeze %dma_start3A_60 : memref<1x80x128xf32, #tpu.memory_space<hbm>> -> memref<80x128xf32, #tpu.memory_space<hbm>>
    tpu.enqueue_dma source(%arg9 : memref<80x128xf32, #tpu.memory_space<vmem>>) target(%dma_start3A_61 : memref<80x128xf32, #tpu.memory_space<hbm>>) target_semaphore(%arg12 : memref<!tpu.dma_semaphore, #tpu.memory_space<semaphore_mem>>)
    %mul3A_62 = arith.constant 640 : i32
    %mul3A_63 = arith.muli %arg1, %mul3A_62 : i32
    %add3A_64 = arith.constant 80 : i32
    %add3A_65 = arith.addi %mul3A_63, %add3A_64 : i32
    "tpu.region"() ({
      %run_scoped3A_208 = tpu.sem_alloc : memref<!tpu.dma_semaphore, #tpu.memory_space<semaphore_mem>>
      %dma_start3A_209 = arith.constant 0 : i32
      %dma_start3A_210 = tpu.memref_slice %arg11[%add3A_65, %dma_start3A_209] : memref<10240x128xf32, #tpu.memory_space<vmem_shared>> -> memref<80x128xf32, #tpu.memory_space<vmem_shared>>
      %dma_start3A_211 = arith.constant 0 : i32
      %dma_start3A_212 = tpu.memref_slice %arg11[%add3A_65, %dma_start3A_211] : memref<10240x128xf32, #tpu.memory_space<vmem_shared>> -> memref<80x128xf32, #tpu.memory_space<vmem_shared>>
      tpu.enqueue_dma source(%dma_start3A_212 : memref<80x128xf32, #tpu.memory_space<vmem_shared>>) target(%arg10 : memref<80x128xf32, #tpu.memory_space<vmem>>) target_semaphore(%run_scoped3A_208 : memref<!tpu.dma_semaphore, #tpu.memory_space<semaphore_mem>>)
      %dma_wait3A_213 = arith.constant 0 : i32
      %dma_wait3A_214 = tpu.memref_slice %arg11[%add3A_65, %dma_wait3A_213] : memref<10240x128xf32, #tpu.memory_space<vmem_shared>> -> memref<80x128xf32, #tpu.memory_space<vmem_shared>>
      %dma_wait3A_215 = arith.constant 0 : i32
      %dma_wait3A_216 = tpu.memref_slice %arg11[%add3A_65, %dma_wait3A_215] : memref<10240x128xf32, #tpu.memory_space<vmem_shared>> -> memref<80x128xf32, #tpu.memory_space<vmem_shared>>
      tpu.wait_dma2 semaphore(%run_scoped3A_208 : memref<!tpu.dma_semaphore, #tpu.memory_space<semaphore_mem>>) src(%dma_wait3A_216 : memref<80x128xf32, #tpu.memory_space<vmem_shared>>) dst(%arg10 : memref<80x128xf32, #tpu.memory_space<vmem>>)
      tpu.yield
    }) : () -> ()
    %mul3A_66 = arith.constant 640 : i32
    %mul3A_67 = arith.muli %arg1, %mul3A_66 : i32
    %add3A_68 = arith.constant 80 : i32
    %add3A_69 = arith.addi %mul3A_67, %add3A_68 : i32
    %dma_start3A_70 = arith.constant 0 : i32
    %dma_start3A_71 = tpu.memref_slice %arg6[%arg0, %add3A_69, %dma_start3A_70] : memref<2x10240x128xf32, #tpu.memory_space<hbm>> -> memref<1x80x128xf32, #tpu.memory_space<hbm>>
    %dma_start3A_72 = tpu.memref_squeeze %dma_start3A_71 : memref<1x80x128xf32, #tpu.memory_space<hbm>> -> memref<80x128xf32, #tpu.memory_space<hbm>>
    %dma_start3A_73 = arith.constant 0 : i32
    %dma_start3A_74 = tpu.memref_slice %arg6[%arg0, %add3A_69, %dma_start3A_73] : memref<2x10240x128xf32, #tpu.memory_space<hbm>> -> memref<1x80x128xf32, #tpu.memory_space<hbm>>
    %dma_start3A_75 = tpu.memref_squeeze %dma_start3A_74 : memref<1x80x128xf32, #tpu.memory_space<hbm>> -> memref<80x128xf32, #tpu.memory_space<hbm>>
    tpu.enqueue_dma source(%arg10 : memref<80x128xf32, #tpu.memory_space<vmem>>) target(%dma_start3A_75 : memref<80x128xf32, #tpu.memory_space<hbm>>) target_semaphore(%arg13 : memref<!tpu.dma_semaphore, #tpu.memory_space<semaphore_mem>>)
    %dma_wait3A_76 = arith.constant 0 : i32
    %dma_wait3A_77 = arith.constant 0 : i32
    %dma_wait3A_78 = tpu.memref_slice %arg2[%dma_wait3A_76, %dma_wait3A_77] : memref<10000x128xf32, #tpu.memory_space<hbm>> -> memref<80x128xf32, #tpu.memory_space<hbm>>
    %dma_wait3A_79 = arith.constant 0 : i32
    %dma_wait3A_80 = arith.constant 0 : i32
    %dma_wait3A_81 = tpu.memref_slice %arg2[%dma_wait3A_79, %dma_wait3A_80] : memref<10000x128xf32, #tpu.memory_space<hbm>> -> memref<80x128xf32, #tpu.memory_space<hbm>>
    tpu.wait_dma2 semaphore(%arg12 : memref<!tpu.dma_semaphore, #tpu.memory_space<semaphore_mem>>) src(%dma_wait3A_81 : memref<80x128xf32, #tpu.memory_space<hbm>>) dst(%arg9 : memref<80x128xf32, #tpu.memory_space<vmem>>)
    %mul3A_82 = arith.constant 640 : i32
    %mul3A_83 = arith.muli %arg1, %mul3A_82 : i32
    %add3A_84 = arith.constant 160 : i32
    %add3A_85 = arith.addi %mul3A_83, %add3A_84 : i32
    "tpu.region"() ({
      %run_scoped3A_208 = tpu.sem_alloc : memref<!tpu.dma_semaphore, #tpu.memory_space<semaphore_mem>>
      %dma_start3A_209 = arith.constant 0 : i32
      %dma_start3A_210 = tpu.memref_slice %arg11[%add3A_85, %dma_start3A_209] : memref<10240x128xf32, #tpu.memory_space<vmem_shared>> -> memref<80x128xf32, #tpu.memory_space<vmem_shared>>
      %dma_start3A_211 = arith.constant 0 : i32
      %dma_start3A_212 = tpu.memref_slice %arg11[%add3A_85, %dma_start3A_211] : memref<10240x128xf32, #tpu.memory_space<vmem_shared>> -> memref<80x128xf32, #tpu.memory_space<vmem_shared>>
      tpu.enqueue_dma source(%dma_start3A_212 : memref<80x128xf32, #tpu.memory_space<vmem_shared>>) target(%arg9 : memref<80x128xf32, #tpu.memory_space<vmem>>) target_semaphore(%run_scoped3A_208 : memref<!tpu.dma_semaphore, #tpu.memory_space<semaphore_mem>>)
      %dma_wait3A_213 = arith.constant 0 : i32
      %dma_wait3A_214 = tpu.memref_slice %arg11[%add3A_85, %dma_wait3A_213] : memref<10240x128xf32, #tpu.memory_space<vmem_shared>> -> memref<80x128xf32, #tpu.memory_space<vmem_shared>>
      %dma_wait3A_215 = arith.constant 0 : i32
      %dma_wait3A_216 = tpu.memref_slice %arg11[%add3A_85, %dma_wait3A_215] : memref<10240x128xf32, #tpu.memory_space<vmem_shared>> -> memref<80x128xf32, #tpu.memory_space<vmem_shared>>
      tpu.wait_dma2 semaphore(%run_scoped3A_208 : memref<!tpu.dma_semaphore, #tpu.memory_space<semaphore_mem>>) src(%dma_wait3A_216 : memref<80x128xf32, #tpu.memory_space<vmem_shared>>) dst(%arg9 : memref<80x128xf32, #tpu.memory_space<vmem>>)
      tpu.yield
    }) : () -> ()
    %mul3A_86 = arith.constant 640 : i32
    %mul3A_87 = arith.muli %arg1, %mul3A_86 : i32
    %add3A_88 = arith.constant 160 : i32
    %add3A_89 = arith.addi %mul3A_87, %add3A_88 : i32
    %dma_start3A_90 = arith.constant 0 : i32
    %dma_start3A_91 = tpu.memref_slice %arg6[%arg0, %add3A_89, %dma_start3A_90] : memref<2x10240x128xf32, #tpu.memory_space<hbm>> -> memref<1x80x128xf32, #tpu.memory_space<hbm>>
    %dma_start3A_92 = tpu.memref_squeeze %dma_start3A_91 : memref<1x80x128xf32, #tpu.memory_space<hbm>> -> memref<80x128xf32, #tpu.memory_space<hbm>>
    %dma_start3A_93 = arith.constant 0 : i32
    %dma_start3A_94 = tpu.memref_slice %arg6[%arg0, %add3A_89, %dma_start3A_93] : memref<2x10240x128xf32, #tpu.memory_space<hbm>> -> memref<1x80x128xf32, #tpu.memory_space<hbm>>
    %dma_start3A_95 = tpu.memref_squeeze %dma_start3A_94 : memref<1x80x128xf32, #tpu.memory_space<hbm>> -> memref<80x128xf32, #tpu.memory_space<hbm>>
    tpu.enqueue_dma source(%arg9 : memref<80x128xf32, #tpu.memory_space<vmem>>) target(%dma_start3A_95 : memref<80x128xf32, #tpu.memory_space<hbm>>) target_semaphore(%arg12 : memref<!tpu.dma_semaphore, #tpu.memory_space<semaphore_mem>>)
    %dma_wait3A_96 = arith.constant 0 : i32
    %dma_wait3A_97 = arith.constant 0 : i32
    %dma_wait3A_98 = tpu.memref_slice %arg2[%dma_wait3A_96, %dma_wait3A_97] : memref<10000x128xf32, #tpu.memory_space<hbm>> -> memref<80x128xf32, #tpu.memory_space<hbm>>
    %dma_wait3A_99 = arith.constant 0 : i32
    %dma_wait3A_100 = arith.constant 0 : i32
    %dma_wait3A_101 = tpu.memref_slice %arg2[%dma_wait3A_99, %dma_wait3A_100] : memref<10000x128xf32, #tpu.memory_space<hbm>> -> memref<80x128xf32, #tpu.memory_space<hbm>>
    tpu.wait_dma2 semaphore(%arg13 : memref<!tpu.dma_semaphore, #tpu.memory_space<semaphore_mem>>) src(%dma_wait3A_101 : memref<80x128xf32, #tpu.memory_space<hbm>>) dst(%arg10 : memref<80x128xf32, #tpu.memory_space<vmem>>)
    %mul3A_102 = arith.constant 640 : i32
    %mul3A_103 = arith.muli %arg1, %mul3A_102 : i32
    %add3A_104 = arith.constant 240 : i32
    %add3A_105 = arith.addi %mul3A_103, %add3A_104 : i32
    "tpu.region"() ({
      %run_scoped3A_208 = tpu.sem_alloc : memref<!tpu.dma_semaphore, #tpu.memory_space<semaphore_mem>>
      %dma_start3A_209 = arith.constant 0 : i32
      %dma_start3A_210 = tpu.memref_slice %arg11[%add3A_105, %dma_start3A_209] : memref<10240x128xf32, #tpu.memory_space<vmem_shared>> -> memref<80x128xf32, #tpu.memory_space<vmem_shared>>
      %dma_start3A_211 = arith.constant 0 : i32
      %dma_start3A_212 = tpu.memref_slice %arg11[%add3A_105, %dma_start3A_211] : memref<10240x128xf32, #tpu.memory_space<vmem_shared>> -> memref<80x128xf32, #tpu.memory_space<vmem_shared>>
      tpu.enqueue_dma source(%dma_start3A_212 : memref<80x128xf32, #tpu.memory_space<vmem_shared>>) target(%arg10 : memref<80x128xf32, #tpu.memory_space<vmem>>) target_semaphore(%run_scoped3A_208 : memref<!tpu.dma_semaphore, #tpu.memory_space<semaphore_mem>>)
      %dma_wait3A_213 = arith.constant 0 : i32
      %dma_wait3A_214 = tpu.memref_slice %arg11[%add3A_105, %dma_wait3A_213] : memref<10240x128xf32, #tpu.memory_space<vmem_shared>> -> memref<80x128xf32, #tpu.memory_space<vmem_shared>>
      %dma_wait3A_215 = arith.constant 0 : i32
      %dma_wait3A_216 = tpu.memref_slice %arg11[%add3A_105, %dma_wait3A_215] : memref<10240x128xf32, #tpu.memory_space<vmem_shared>> -> memref<80x128xf32, #tpu.memory_space<vmem_shared>>
      tpu.wait_dma2 semaphore(%run_scoped3A_208 : memref<!tpu.dma_semaphore, #tpu.memory_space<semaphore_mem>>) src(%dma_wait3A_216 : memref<80x128xf32, #tpu.memory_space<vmem_shared>>) dst(%arg10 : memref<80x128xf32, #tpu.memory_space<vmem>>)
      tpu.yield
    }) : () -> ()
    %mul3A_106 = arith.constant 640 : i32
    %mul3A_107 = arith.muli %arg1, %mul3A_106 : i32
    %add3A_108 = arith.constant 240 : i32
    %add3A_109 = arith.addi %mul3A_107, %add3A_108 : i32
    %dma_start3A_110 = arith.constant 0 : i32
    %dma_start3A_111 = tpu.memref_slice %arg6[%arg0, %add3A_109, %dma_start3A_110] : memref<2x10240x128xf32, #tpu.memory_space<hbm>> -> memref<1x80x128xf32, #tpu.memory_space<hbm>>
    %dma_start3A_112 = tpu.memref_squeeze %dma_start3A_111 : memref<1x80x128xf32, #tpu.memory_space<hbm>> -> memref<80x128xf32, #tpu.memory_space<hbm>>
    %dma_start3A_113 = arith.constant 0 : i32
    %dma_start3A_114 = tpu.memref_slice %arg6[%arg0, %add3A_109, %dma_start3A_113] : memref<2x10240x128xf32, #tpu.memory_space<hbm>> -> memref<1x80x128xf32, #tpu.memory_space<hbm>>
    %dma_start3A_115 = tpu.memref_squeeze %dma_start3A_114 : memref<1x80x128xf32, #tpu.memory_space<hbm>> -> memref<80x128xf32, #tpu.memory_space<hbm>>
    tpu.enqueue_dma source(%arg10 : memref<80x128xf32, #tpu.memory_space<vmem>>) target(%dma_start3A_115 : memref<80x128xf32, #tpu.memory_space<hbm>>) target_semaphore(%arg13 : memref<!tpu.dma_semaphore, #tpu.memory_space<semaphore_mem>>)
    %dma_wait3A_116 = arith.constant 0 : i32
    %dma_wait3A_117 = arith.constant 0 : i32
    %dma_wait3A_118 = tpu.memref_slice %arg2[%dma_wait3A_116, %dma_wait3A_117] : memref<10000x128xf32, #tpu.memory_space<hbm>> -> memref<80x128xf32, #tpu.memory_space<hbm>>
    %dma_wait3A_119 = arith.constant 0 : i32
    %dma_wait3A_120 = arith.constant 0 : i32
    %dma_wait3A_121 = tpu.memref_slice %arg2[%dma_wait3A_119, %dma_wait3A_120] : memref<10000x128xf32, #tpu.memory_space<hbm>> -> memref<80x128xf32, #tpu.memory_space<hbm>>
    tpu.wait_dma2 semaphore(%arg12 : memref<!tpu.dma_semaphore, #tpu.memory_space<semaphore_mem>>) src(%dma_wait3A_121 : memref<80x128xf32, #tpu.memory_space<hbm>>) dst(%arg9 : memref<80x128xf32, #tpu.memory_space<vmem>>)
    %mul3A_122 = arith.constant 640 : i32
    %mul3A_123 = arith.muli %arg1, %mul3A_122 : i32
    %add3A_124 = arith.constant 320 : i32
    %add3A_125 = arith.addi %mul3A_123, %add3A_124 : i32
    "tpu.region"() ({
      %run_scoped3A_208 = tpu.sem_alloc : memref<!tpu.dma_semaphore, #tpu.memory_space<semaphore_mem>>
      %dma_start3A_209 = arith.constant 0 : i32
      %dma_start3A_210 = tpu.memref_slice %arg11[%add3A_125, %dma_start3A_209] : memref<10240x128xf32, #tpu.memory_space<vmem_shared>> -> memref<80x128xf32, #tpu.memory_space<vmem_shared>>
      %dma_start3A_211 = arith.constant 0 : i32
      %dma_start3A_212 = tpu.memref_slice %arg11[%add3A_125, %dma_start3A_211] : memref<10240x128xf32, #tpu.memory_space<vmem_shared>> -> memref<80x128xf32, #tpu.memory_space<vmem_shared>>
      tpu.enqueue_dma source(%dma_start3A_212 : memref<80x128xf32, #tpu.memory_space<vmem_shared>>) target(%arg9 : memref<80x128xf32, #tpu.memory_space<vmem>>) target_semaphore(%run_scoped3A_208 : memref<!tpu.dma_semaphore, #tpu.memory_space<semaphore_mem>>)
      %dma_wait3A_213 = arith.constant 0 : i32
      %dma_wait3A_214 = tpu.memref_slice %arg11[%add3A_125, %dma_wait3A_213] : memref<10240x128xf32, #tpu.memory_space<vmem_shared>> -> memref<80x128xf32, #tpu.memory_space<vmem_shared>>
      %dma_wait3A_215 = arith.constant 0 : i32
      %dma_wait3A_216 = tpu.memref_slice %arg11[%add3A_125, %dma_wait3A_215] : memref<10240x128xf32, #tpu.memory_space<vmem_shared>> -> memref<80x128xf32, #tpu.memory_space<vmem_shared>>
      tpu.wait_dma2 semaphore(%run_scoped3A_208 : memref<!tpu.dma_semaphore, #tpu.memory_space<semaphore_mem>>) src(%dma_wait3A_216 : memref<80x128xf32, #tpu.memory_space<vmem_shared>>) dst(%arg9 : memref<80x128xf32, #tpu.memory_space<vmem>>)
      tpu.yield
    }) : () -> ()
    %mul3A_126 = arith.constant 640 : i32
    %mul3A_127 = arith.muli %arg1, %mul3A_126 : i32
    %add3A_128 = arith.constant 320 : i32
    %add3A_129 = arith.addi %mul3A_127, %add3A_128 : i32
    %dma_start3A_130 = arith.constant 0 : i32
    %dma_start3A_131 = tpu.memref_slice %arg6[%arg0, %add3A_129, %dma_start3A_130] : memref<2x10240x128xf32, #tpu.memory_space<hbm>> -> memref<1x80x128xf32, #tpu.memory_space<hbm>>
    %dma_start3A_132 = tpu.memref_squeeze %dma_start3A_131 : memref<1x80x128xf32, #tpu.memory_space<hbm>> -> memref<80x128xf32, #tpu.memory_space<hbm>>
    %dma_start3A_133 = arith.constant 0 : i32
    %dma_start3A_134 = tpu.memref_slice %arg6[%arg0, %add3A_129, %dma_start3A_133] : memref<2x10240x128xf32, #tpu.memory_space<hbm>> -> memref<1x80x128xf32, #tpu.memory_space<hbm>>
    %dma_start3A_135 = tpu.memref_squeeze %dma_start3A_134 : memref<1x80x128xf32, #tpu.memory_space<hbm>> -> memref<80x128xf32, #tpu.memory_space<hbm>>
    tpu.enqueue_dma source(%arg9 : memref<80x128xf32, #tpu.memory_space<vmem>>) target(%dma_start3A_135 : memref<80x128xf32, #tpu.memory_space<hbm>>) target_semaphore(%arg12 : memref<!tpu.dma_semaphore, #tpu.memory_space<semaphore_mem>>)
    %dma_wait3A_136 = arith.constant 0 : i32
    %dma_wait3A_137 = arith.constant 0 : i32
    %dma_wait3A_138 = tpu.memref_slice %arg2[%dma_wait3A_136, %dma_wait3A_137] : memref<10000x128xf32, #tpu.memory_space<hbm>> -> memref<80x128xf32, #tpu.memory_space<hbm>>
    %dma_wait3A_139 = arith.constant 0 : i32
    %dma_wait3A_140 = arith.constant 0 : i32
    %dma_wait3A_141 = tpu.memref_slice %arg2[%dma_wait3A_139, %dma_wait3A_140] : memref<10000x128xf32, #tpu.memory_space<hbm>> -> memref<80x128xf32, #tpu.memory_space<hbm>>
    tpu.wait_dma2 semaphore(%arg13 : memref<!tpu.dma_semaphore, #tpu.memory_space<semaphore_mem>>) src(%dma_wait3A_141 : memref<80x128xf32, #tpu.memory_space<hbm>>) dst(%arg10 : memref<80x128xf32, #tpu.memory_space<vmem>>)
    %mul3A_142 = arith.constant 640 : i32
    %mul3A_143 = arith.muli %arg1, %mul3A_142 : i32
    %add3A_144 = arith.constant 400 : i32
    %add3A_145 = arith.addi %mul3A_143, %add3A_144 : i32
    "tpu.region"() ({
      %run_scoped3A_208 = tpu.sem_alloc : memref<!tpu.dma_semaphore, #tpu.memory_space<semaphore_mem>>
      %dma_start3A_209 = arith.constant 0 : i32
      %dma_start3A_210 = tpu.memref_slice %arg11[%add3A_145, %dma_start3A_209] : memref<10240x128xf32, #tpu.memory_space<vmem_shared>> -> memref<80x128xf32, #tpu.memory_space<vmem_shared>>
      %dma_start3A_211 = arith.constant 0 : i32
      %dma_start3A_212 = tpu.memref_slice %arg11[%add3A_145, %dma_start3A_211] : memref<10240x128xf32, #tpu.memory_space<vmem_shared>> -> memref<80x128xf32, #tpu.memory_space<vmem_shared>>
      tpu.enqueue_dma source(%dma_start3A_212 : memref<80x128xf32, #tpu.memory_space<vmem_shared>>) target(%arg10 : memref<80x128xf32, #tpu.memory_space<vmem>>) target_semaphore(%run_scoped3A_208 : memref<!tpu.dma_semaphore, #tpu.memory_space<semaphore_mem>>)
      %dma_wait3A_213 = arith.constant 0 : i32
      %dma_wait3A_214 = tpu.memref_slice %arg11[%add3A_145, %dma_wait3A_213] : memref<10240x128xf32, #tpu.memory_space<vmem_shared>> -> memref<80x128xf32, #tpu.memory_space<vmem_shared>>
      %dma_wait3A_215 = arith.constant 0 : i32
      %dma_wait3A_216 = tpu.memref_slice %arg11[%add3A_145, %dma_wait3A_215] : memref<10240x128xf32, #tpu.memory_space<vmem_shared>> -> memref<80x128xf32, #tpu.memory_space<vmem_shared>>
      tpu.wait_dma2 semaphore(%run_scoped3A_208 : memref<!tpu.dma_semaphore, #tpu.memory_space<semaphore_mem>>) src(%dma_wait3A_216 : memref<80x128xf32, #tpu.memory_space<vmem_shared>>) dst(%arg10 : memref<80x128xf32, #tpu.memory_space<vmem>>)
      tpu.yield
    }) : () -> ()
    %mul3A_146 = arith.constant 640 : i32
    %mul3A_147 = arith.muli %arg1, %mul3A_146 : i32
    %add3A_148 = arith.constant 400 : i32
    %add3A_149 = arith.addi %mul3A_147, %add3A_148 : i32
    %dma_start3A_150 = arith.constant 0 : i32
    %dma_start3A_151 = tpu.memref_slice %arg6[%arg0, %add3A_149, %dma_start3A_150] : memref<2x10240x128xf32, #tpu.memory_space<hbm>> -> memref<1x80x128xf32, #tpu.memory_space<hbm>>
    %dma_start3A_152 = tpu.memref_squeeze %dma_start3A_151 : memref<1x80x128xf32, #tpu.memory_space<hbm>> -> memref<80x128xf32, #tpu.memory_space<hbm>>
    %dma_start3A_153 = arith.constant 0 : i32
    %dma_start3A_154 = tpu.memref_slice %arg6[%arg0, %add3A_149, %dma_start3A_153] : memref<2x10240x128xf32, #tpu.memory_space<hbm>> -> memref<1x80x128xf32, #tpu.memory_space<hbm>>
    %dma_start3A_155 = tpu.memref_squeeze %dma_start3A_154 : memref<1x80x128xf32, #tpu.memory_space<hbm>> -> memref<80x128xf32, #tpu.memory_space<hbm>>
    tpu.enqueue_dma source(%arg10 : memref<80x128xf32, #tpu.memory_space<vmem>>) target(%dma_start3A_155 : memref<80x128xf32, #tpu.memory_space<hbm>>) target_semaphore(%arg13 : memref<!tpu.dma_semaphore, #tpu.memory_space<semaphore_mem>>)
    %dma_wait3A_156 = arith.constant 0 : i32
    %dma_wait3A_157 = arith.constant 0 : i32
    %dma_wait3A_158 = tpu.memref_slice %arg2[%dma_wait3A_156, %dma_wait3A_157] : memref<10000x128xf32, #tpu.memory_space<hbm>> -> memref<80x128xf32, #tpu.memory_space<hbm>>
    %dma_wait3A_159 = arith.constant 0 : i32
    %dma_wait3A_160 = arith.constant 0 : i32
    %dma_wait3A_161 = tpu.memref_slice %arg2[%dma_wait3A_159, %dma_wait3A_160] : memref<10000x128xf32, #tpu.memory_space<hbm>> -> memref<80x128xf32, #tpu.memory_space<hbm>>
    tpu.wait_dma2 semaphore(%arg12 : memref<!tpu.dma_semaphore, #tpu.memory_space<semaphore_mem>>) src(%dma_wait3A_161 : memref<80x128xf32, #tpu.memory_space<hbm>>) dst(%arg9 : memref<80x128xf32, #tpu.memory_space<vmem>>)
    %mul3A_162 = arith.constant 640 : i32
    %mul3A_163 = arith.muli %arg1, %mul3A_162 : i32
    %add3A_164 = arith.constant 480 : i32
    %add3A_165 = arith.addi %mul3A_163, %add3A_164 : i32
    "tpu.region"() ({
      %run_scoped3A_208 = tpu.sem_alloc : memref<!tpu.dma_semaphore, #tpu.memory_space<semaphore_mem>>
      %dma_start3A_209 = arith.constant 0 : i32
      %dma_start3A_210 = tpu.memref_slice %arg11[%add3A_165, %dma_start3A_209] : memref<10240x128xf32, #tpu.memory_space<vmem_shared>> -> memref<80x128xf32, #tpu.memory_space<vmem_shared>>
      %dma_start3A_211 = arith.constant 0 : i32
      %dma_start3A_212 = tpu.memref_slice %arg11[%add3A_165, %dma_start3A_211] : memref<10240x128xf32, #tpu.memory_space<vmem_shared>> -> memref<80x128xf32, #tpu.memory_space<vmem_shared>>
      tpu.enqueue_dma source(%dma_start3A_212 : memref<80x128xf32, #tpu.memory_space<vmem_shared>>) target(%arg9 : memref<80x128xf32, #tpu.memory_space<vmem>>) target_semaphore(%run_scoped3A_208 : memref<!tpu.dma_semaphore, #tpu.memory_space<semaphore_mem>>)
      %dma_wait3A_213 = arith.constant 0 : i32
      %dma_wait3A_214 = tpu.memref_slice %arg11[%add3A_165, %dma_wait3A_213] : memref<10240x128xf32, #tpu.memory_space<vmem_shared>> -> memref<80x128xf32, #tpu.memory_space<vmem_shared>>
      %dma_wait3A_215 = arith.constant 0 : i32
      %dma_wait3A_216 = tpu.memref_slice %arg11[%add3A_165, %dma_wait3A_215] : memref<10240x128xf32, #tpu.memory_space<vmem_shared>> -> memref<80x128xf32, #tpu.memory_space<vmem_shared>>
      tpu.wait_dma2 semaphore(%run_scoped3A_208 : memref<!tpu.dma_semaphore, #tpu.memory_space<semaphore_mem>>) src(%dma_wait3A_216 : memref<80x128xf32, #tpu.memory_space<vmem_shared>>) dst(%arg9 : memref<80x128xf32, #tpu.memory_space<vmem>>)
      tpu.yield
    }) : () -> ()
    %mul3A_166 = arith.constant 640 : i32
    %mul3A_167 = arith.muli %arg1, %mul3A_166 : i32
    %add3A_168 = arith.constant 480 : i32
    %add3A_169 = arith.addi %mul3A_167, %add3A_168 : i32
    %dma_start3A_170 = arith.constant 0 : i32
    %dma_start3A_171 = tpu.memref_slice %arg6[%arg0, %add3A_169, %dma_start3A_170] : memref<2x10240x128xf32, #tpu.memory_space<hbm>> -> memref<1x80x128xf32, #tpu.memory_space<hbm>>
    %dma_start3A_172 = tpu.memref_squeeze %dma_start3A_171 : memref<1x80x128xf32, #tpu.memory_space<hbm>> -> memref<80x128xf32, #tpu.memory_space<hbm>>
    %dma_start3A_173 = arith.constant 0 : i32
    %dma_start3A_174 = tpu.memref_slice %arg6[%arg0, %add3A_169, %dma_start3A_173] : memref<2x10240x128xf32, #tpu.memory_space<hbm>> -> memref<1x80x128xf32, #tpu.memory_space<hbm>>
    %dma_start3A_175 = tpu.memref_squeeze %dma_start3A_174 : memref<1x80x128xf32, #tpu.memory_space<hbm>> -> memref<80x128xf32, #tpu.memory_space<hbm>>
    tpu.enqueue_dma source(%arg9 : memref<80x128xf32, #tpu.memory_space<vmem>>) target(%dma_start3A_175 : memref<80x128xf32, #tpu.memory_space<hbm>>) target_semaphore(%arg12 : memref<!tpu.dma_semaphore, #tpu.memory_space<semaphore_mem>>)
    %dma_wait3A_176 = arith.constant 0 : i32
    %dma_wait3A_177 = arith.constant 0 : i32
    %dma_wait3A_178 = tpu.memref_slice %arg2[%dma_wait3A_176, %dma_wait3A_177] : memref<10000x128xf32, #tpu.memory_space<hbm>> -> memref<80x128xf32, #tpu.memory_space<hbm>>
    %dma_wait3A_179 = arith.constant 0 : i32
    %dma_wait3A_180 = arith.constant 0 : i32
    %dma_wait3A_181 = tpu.memref_slice %arg2[%dma_wait3A_179, %dma_wait3A_180] : memref<10000x128xf32, #tpu.memory_space<hbm>> -> memref<80x128xf32, #tpu.memory_space<hbm>>
    tpu.wait_dma2 semaphore(%arg13 : memref<!tpu.dma_semaphore, #tpu.memory_space<semaphore_mem>>) src(%dma_wait3A_181 : memref<80x128xf32, #tpu.memory_space<hbm>>) dst(%arg10 : memref<80x128xf32, #tpu.memory_space<vmem>>)
    %mul3A_182 = arith.constant 640 : i32
    %mul3A_183 = arith.muli %arg1, %mul3A_182 : i32
    %add3A_184 = arith.constant 560 : i32
    %add3A_185 = arith.addi %mul3A_183, %add3A_184 : i32
    "tpu.region"() ({
      %run_scoped3A_208 = tpu.sem_alloc : memref<!tpu.dma_semaphore, #tpu.memory_space<semaphore_mem>>
      %dma_start3A_209 = arith.constant 0 : i32
      %dma_start3A_210 = tpu.memref_slice %arg11[%add3A_185, %dma_start3A_209] : memref<10240x128xf32, #tpu.memory_space<vmem_shared>> -> memref<80x128xf32, #tpu.memory_space<vmem_shared>>
      %dma_start3A_211 = arith.constant 0 : i32
      %dma_start3A_212 = tpu.memref_slice %arg11[%add3A_185, %dma_start3A_211] : memref<10240x128xf32, #tpu.memory_space<vmem_shared>> -> memref<80x128xf32, #tpu.memory_space<vmem_shared>>
      tpu.enqueue_dma source(%dma_start3A_212 : memref<80x128xf32, #tpu.memory_space<vmem_shared>>) target(%arg10 : memref<80x128xf32, #tpu.memory_space<vmem>>) target_semaphore(%run_scoped3A_208 : memref<!tpu.dma_semaphore, #tpu.memory_space<semaphore_mem>>)
      %dma_wait3A_213 = arith.constant 0 : i32
      %dma_wait3A_214 = tpu.memref_slice %arg11[%add3A_185, %dma_wait3A_213] : memref<10240x128xf32, #tpu.memory_space<vmem_shared>> -> memref<80x128xf32, #tpu.memory_space<vmem_shared>>
      %dma_wait3A_215 = arith.constant 0 : i32
      %dma_wait3A_216 = tpu.memref_slice %arg11[%add3A_185, %dma_wait3A_215] : memref<10240x128xf32, #tpu.memory_space<vmem_shared>> -> memref<80x128xf32, #tpu.memory_space<vmem_shared>>
      tpu.wait_dma2 semaphore(%run_scoped3A_208 : memref<!tpu.dma_semaphore, #tpu.memory_space<semaphore_mem>>) src(%dma_wait3A_216 : memref<80x128xf32, #tpu.memory_space<vmem_shared>>) dst(%arg10 : memref<80x128xf32, #tpu.memory_space<vmem>>)
      tpu.yield
    }) : () -> ()
    %mul3A_186 = arith.constant 640 : i32
    %mul3A_187 = arith.muli %arg1, %mul3A_186 : i32
    %add3A_188 = arith.constant 560 : i32
    %add3A_189 = arith.addi %mul3A_187, %add3A_188 : i32
    %dma_start3A_190 = arith.constant 0 : i32
    %dma_start3A_191 = tpu.memref_slice %arg6[%arg0, %add3A_189, %dma_start3A_190] : memref<2x10240x128xf32, #tpu.memory_space<hbm>> -> memref<1x80x128xf32, #tpu.memory_space<hbm>>
    %dma_start3A_192 = tpu.memref_squeeze %dma_start3A_191 : memref<1x80x128xf32, #tpu.memory_space<hbm>> -> memref<80x128xf32, #tpu.memory_space<hbm>>
    %dma_start3A_193 = arith.constant 0 : i32
    %dma_start3A_194 = tpu.memref_slice %arg6[%arg0, %add3A_189, %dma_start3A_193] : memref<2x10240x128xf32, #tpu.memory_space<hbm>> -> memref<1x80x128xf32, #tpu.memory_space<hbm>>
    %dma_start3A_195 = tpu.memref_squeeze %dma_start3A_194 : memref<1x80x128xf32, #tpu.memory_space<hbm>> -> memref<80x128xf32, #tpu.memory_space<hbm>>
    tpu.enqueue_dma source(%arg10 : memref<80x128xf32, #tpu.memory_space<vmem>>) target(%dma_start3A_195 : memref<80x128xf32, #tpu.memory_space<hbm>>) target_semaphore(%arg13 : memref<!tpu.dma_semaphore, #tpu.memory_space<semaphore_mem>>)
    %dma_wait3A_196 = arith.constant 0 : i32
    %dma_wait3A_197 = arith.constant 0 : i32
    %dma_wait3A_198 = tpu.memref_slice %arg2[%dma_wait3A_196, %dma_wait3A_197] : memref<10000x128xf32, #tpu.memory_space<hbm>> -> memref<80x128xf32, #tpu.memory_space<hbm>>
    %dma_wait3A_199 = arith.constant 0 : i32
    %dma_wait3A_200 = arith.constant 0 : i32
    %dma_wait3A_201 = tpu.memref_slice %arg2[%dma_wait3A_199, %dma_wait3A_200] : memref<10000x128xf32, #tpu.memory_space<hbm>> -> memref<80x128xf32, #tpu.memory_space<hbm>>
    tpu.wait_dma2 semaphore(%arg12 : memref<!tpu.dma_semaphore, #tpu.memory_space<semaphore_mem>>) src(%dma_wait3A_201 : memref<80x128xf32, #tpu.memory_space<hbm>>) dst(%arg9 : memref<80x128xf32, #tpu.memory_space<vmem>>)
    %dma_wait3A_202 = arith.constant 0 : i32
    %dma_wait3A_203 = arith.constant 0 : i32
    %dma_wait3A_204 = tpu.memref_slice %arg2[%dma_wait3A_202, %dma_wait3A_203] : memref<10000x128xf32, #tpu.memory_space<hbm>> -> memref<80x128xf32, #tpu.memory_space<hbm>>
    %dma_wait3A_205 = arith.constant 0 : i32
    %dma_wait3A_206 = arith.constant 0 : i32
    %dma_wait3A_207 = tpu.memref_slice %arg2[%dma_wait3A_205, %dma_wait3A_206] : memref<10000x128xf32, #tpu.memory_space<hbm>> -> memref<80x128xf32, #tpu.memory_space<hbm>>
    tpu.wait_dma2 semaphore(%arg13 : memref<!tpu.dma_semaphore, #tpu.memory_space<semaphore_mem>>) src(%dma_wait3A_207 : memref<80x128xf32, #tpu.memory_space<hbm>>) dst(%arg10 : memref<80x128xf32, #tpu.memory_space<vmem>>)
    return
  }
}

#map = affine_map<(d0, d1) -> (0, 0, 0)>
#map1 = affine_map<(d0, d1) -> (0)>
#map2 = affine_map<(d0, d1) -> (0, 0)>
module attributes {stable_mosaic.version = 14 : i64} {
  func.func @_deg_kernel(%arg0: i32, %arg1: i32, %arg2: memref<32x125x80xi32, #tpu.memory_space<hbm>>, %arg3: memref<640xf32, #tpu.memory_space<hbm>>, %arg4: memref<80xf32, #tpu.memory_space<hbm>>, %arg5: memref<2x10240xf32, #tpu.memory_space<hbm>>, %arg6: memref<125x80xi32, #tpu.memory_space<vmem>>, %arg7: memref<80xf32, #tpu.memory_space<vmem>>, %arg8: memref<640xf32, #tpu.memory_space<vmem>>, %arg9: memref<10240xf32, #tpu.memory_space<vmem_shared>>, %arg10: memref<!tpu.dma_semaphore, #tpu.memory_space<semaphore_mem>>, %arg11: memref<!tpu.dma_semaphore, #tpu.memory_space<semaphore_mem>>) attributes {dimension_semantics = [#tpu.dimension_semantics<core_parallel>, #tpu.dimension_semantics<subcore_parallel>], iteration_bounds = array<i64: 2, 16>, scalar_prefetch = 0 : i64, scratch_operands = 6 : i64, tpu.core_type = #tpu.core_type<sc_vector_subcore>, window_params = [{transform_indices = #map}, {transform_indices = #map1}, {transform_indices = #map1}, {transform_indices = #map2}]} {
    "tpu.region"() ({
      %run_scoped3A = tpu.sem_alloc : memref<!tpu.dma_semaphore, #tpu.memory_space<semaphore_mem>>
      tpu.enqueue_dma source(%arg3 : memref<640xf32, #tpu.memory_space<hbm>>) target(%arg8 : memref<640xf32, #tpu.memory_space<vmem>>) target_semaphore(%run_scoped3A : memref<!tpu.dma_semaphore, #tpu.memory_space<semaphore_mem>>)
      tpu.wait_dma2 semaphore(%run_scoped3A : memref<!tpu.dma_semaphore, #tpu.memory_space<semaphore_mem>>) src(%arg3 : memref<640xf32, #tpu.memory_space<hbm>>) dst(%arg8 : memref<640xf32, #tpu.memory_space<vmem>>)
      tpu.yield
    }) : () -> ()
    "tpu.region"() ({
      %run_scoped3A = tpu.sem_alloc : memref<!tpu.dma_semaphore, #tpu.memory_space<semaphore_mem>>
      tpu.enqueue_dma source(%arg4 : memref<80xf32, #tpu.memory_space<hbm>>) target(%arg7 : memref<80xf32, #tpu.memory_space<vmem>>) target_semaphore(%run_scoped3A : memref<!tpu.dma_semaphore, #tpu.memory_space<semaphore_mem>>)
      tpu.wait_dma2 semaphore(%run_scoped3A : memref<!tpu.dma_semaphore, #tpu.memory_space<semaphore_mem>>) src(%arg4 : memref<80xf32, #tpu.memory_space<hbm>>) dst(%arg7 : memref<80xf32, #tpu.memory_space<vmem>>)
      tpu.yield
    }) : () -> ()
    %mul3A = arith.constant 640 : i32
    %mul3A_0 = arith.muli %arg1, %mul3A : i32
    "tpu.region"() ({
      %run_scoped3A = tpu.sem_alloc : memref<!tpu.dma_semaphore, #tpu.memory_space<semaphore_mem>>
      %dma_start3A_21 = tpu.memref_slice %arg9[%mul3A_0] : memref<10240xf32, #tpu.memory_space<vmem_shared>> -> memref<640xf32, #tpu.memory_space<vmem_shared>>
      %dma_start3A_22 = tpu.memref_slice %arg9[%mul3A_0] : memref<10240xf32, #tpu.memory_space<vmem_shared>> -> memref<640xf32, #tpu.memory_space<vmem_shared>>
      tpu.enqueue_dma source(%arg8 : memref<640xf32, #tpu.memory_space<vmem>>) target(%dma_start3A_22 : memref<640xf32, #tpu.memory_space<vmem_shared>>) target_semaphore(%run_scoped3A : memref<!tpu.dma_semaphore, #tpu.memory_space<semaphore_mem>>)
      %dma_wait3A_23 = tpu.memref_slice %arg9[%mul3A_0] : memref<10240xf32, #tpu.memory_space<vmem_shared>> -> memref<640xf32, #tpu.memory_space<vmem_shared>>
      %dma_wait3A_24 = tpu.memref_slice %arg9[%mul3A_0] : memref<10240xf32, #tpu.memory_space<vmem_shared>> -> memref<640xf32, #tpu.memory_space<vmem_shared>>
      tpu.wait_dma2 semaphore(%run_scoped3A : memref<!tpu.dma_semaphore, #tpu.memory_space<semaphore_mem>>) src(%arg8 : memref<640xf32, #tpu.memory_space<vmem>>) dst(%dma_wait3A_24 : memref<640xf32, #tpu.memory_space<vmem_shared>>)
      tpu.yield
    }) : () -> ()
    %mul3A_1 = arith.constant 16 : i32
    %mul3A_2 = arith.muli %arg0, %mul3A_1 : i32
    %add3A = arith.addi %mul3A_2, %arg1 : i32
    "tpu.region"() ({
      %run_scoped3A = tpu.sem_alloc : memref<!tpu.dma_semaphore, #tpu.memory_space<semaphore_mem>>
      %dma_start3A_21 = arith.constant 0 : i32
      %dma_start3A_22 = arith.constant 0 : i32
      %dma_start3A_23 = tpu.memref_slice %arg2[%add3A, %dma_start3A_21, %dma_start3A_22] : memref<32x125x80xi32, #tpu.memory_space<hbm>> -> memref<1x125x80xi32, #tpu.memory_space<hbm>>
      %dma_start3A_24 = tpu.memref_squeeze %dma_start3A_23 : memref<1x125x80xi32, #tpu.memory_space<hbm>> -> memref<125x80xi32, #tpu.memory_space<hbm>>
      %dma_start3A_25 = arith.constant 0 : i32
      %dma_start3A_26 = arith.constant 0 : i32
      %dma_start3A_27 = tpu.memref_slice %arg2[%add3A, %dma_start3A_25, %dma_start3A_26] : memref<32x125x80xi32, #tpu.memory_space<hbm>> -> memref<1x125x80xi32, #tpu.memory_space<hbm>>
      %dma_start3A_28 = tpu.memref_squeeze %dma_start3A_27 : memref<1x125x80xi32, #tpu.memory_space<hbm>> -> memref<125x80xi32, #tpu.memory_space<hbm>>
      tpu.enqueue_dma source(%dma_start3A_28 : memref<125x80xi32, #tpu.memory_space<hbm>>) target(%arg6 : memref<125x80xi32, #tpu.memory_space<vmem>>) target_semaphore(%run_scoped3A : memref<!tpu.dma_semaphore, #tpu.memory_space<semaphore_mem>>)
      %dma_wait3A_29 = arith.constant 0 : i32
      %dma_wait3A_30 = arith.constant 0 : i32
      %dma_wait3A_31 = tpu.memref_slice %arg2[%add3A, %dma_wait3A_29, %dma_wait3A_30] : memref<32x125x80xi32, #tpu.memory_space<hbm>> -> memref<1x125x80xi32, #tpu.memory_space<hbm>>
      %dma_wait3A_32 = tpu.memref_squeeze %dma_wait3A_31 : memref<1x125x80xi32, #tpu.memory_space<hbm>> -> memref<125x80xi32, #tpu.memory_space<hbm>>
      %dma_wait3A_33 = arith.constant 0 : i32
      %dma_wait3A_34 = arith.constant 0 : i32
      %dma_wait3A_35 = tpu.memref_slice %arg2[%add3A, %dma_wait3A_33, %dma_wait3A_34] : memref<32x125x80xi32, #tpu.memory_space<hbm>> -> memref<1x125x80xi32, #tpu.memory_space<hbm>>
      %dma_wait3A_36 = tpu.memref_squeeze %dma_wait3A_35 : memref<1x125x80xi32, #tpu.memory_space<hbm>> -> memref<125x80xi32, #tpu.memory_space<hbm>>
      tpu.wait_dma2 semaphore(%run_scoped3A : memref<!tpu.dma_semaphore, #tpu.memory_space<semaphore_mem>>) src(%dma_wait3A_36 : memref<125x80xi32, #tpu.memory_space<hbm>>) dst(%arg6 : memref<125x80xi32, #tpu.memory_space<vmem>>)
      tpu.yield
    }) : () -> ()
    %barrier3A = arith.constant 0 : index
    tpu.barrier barrier_id(%barrier3A)
    %dma_start3A = arith.constant 0 : i32
    %dma_start3A_3 = arith.constant 0 : i32
    %dma_start3A_4 = tpu.memref_slice %arg6[%dma_start3A, %dma_start3A_3] : memref<125x80xi32, #tpu.memory_space<vmem>> -> memref<1x80xi32, #tpu.memory_space<vmem>>
    %dma_start3A_5 = tpu.memref_squeeze %dma_start3A_4 : memref<1x80xi32, #tpu.memory_space<vmem>> -> memref<80xi32, #tpu.memory_space<vmem>>
    %dma_start3A_6 = arith.constant 0 : i32
    %dma_start3A_7 = tpu.memref_slice %arg9[%dma_start3A_6] : memref<10240xf32, #tpu.memory_space<vmem_shared>> -> memref<10240xf32, #tpu.memory_space<vmem_shared>>
    tpu.enqueue_indirect_dma source(%arg7 : memref<80xf32, #tpu.memory_space<vmem>>) target(%dma_start3A_7 : memref<10240xf32, #tpu.memory_space<vmem_shared>>) offsets(%dma_start3A_5 : memref<80xi32, #tpu.memory_space<vmem>>) semaphore(%arg10 : memref<!tpu.dma_semaphore, #tpu.memory_space<semaphore_mem>>) {add = true}
    %scan3A = arith.constant 0 : i32
    %scan3A_8 = arith.constant 0 : i32
    %scan3A_9 = arith.constant 62 : i32
    %scan3A_10 = arith.addi %scan3A_8, %scan3A_9 : i32
    %scan3A_11 = arith.constant 1 : i32
    scf.for %scan3A_21 = %scan3A_8 to %scan3A_10 step %scan3A_11  : i32 {
      %mul3A_22 = arith.constant 2 : i32
      %mul3A_23 = arith.muli %mul3A_22, %scan3A_21 : i32
      %add3A_24 = arith.constant 1 : i32
      %add3A_25 = arith.addi %mul3A_23, %add3A_24 : i32
      %dma_start3A_26 = arith.constant 0 : i32
      %dma_start3A_27 = tpu.memref_slice %arg6[%add3A_25, %dma_start3A_26] : memref<125x80xi32, #tpu.memory_space<vmem>> -> memref<1x80xi32, #tpu.memory_space<vmem>>
      %dma_start3A_28 = tpu.memref_squeeze %dma_start3A_27 : memref<1x80xi32, #tpu.memory_space<vmem>> -> memref<80xi32, #tpu.memory_space<vmem>>
      %dma_start3A_29 = arith.constant 0 : i32
      %dma_start3A_30 = tpu.memref_slice %arg9[%dma_start3A_29] : memref<10240xf32, #tpu.memory_space<vmem_shared>> -> memref<10240xf32, #tpu.memory_space<vmem_shared>>
      tpu.enqueue_indirect_dma source(%arg7 : memref<80xf32, #tpu.memory_space<vmem>>) target(%dma_start3A_30 : memref<10240xf32, #tpu.memory_space<vmem_shared>>) offsets(%dma_start3A_28 : memref<80xi32, #tpu.memory_space<vmem>>) semaphore(%arg11 : memref<!tpu.dma_semaphore, #tpu.memory_space<semaphore_mem>>) {add = true}
      %dma_wait3A_31 = arith.constant 0 : i32
      %dma_wait3A_32 = tpu.memref_slice %arg3[%dma_wait3A_31] : memref<640xf32, #tpu.memory_space<hbm>> -> memref<80xf32, #tpu.memory_space<hbm>>
      %dma_wait3A_33 = arith.constant 0 : i32
      %dma_wait3A_34 = tpu.memref_slice %arg3[%dma_wait3A_33] : memref<640xf32, #tpu.memory_space<hbm>> -> memref<80xf32, #tpu.memory_space<hbm>>
      tpu.wait_dma2 semaphore(%arg10 : memref<!tpu.dma_semaphore, #tpu.memory_space<semaphore_mem>>) src(%dma_wait3A_34 : memref<80xf32, #tpu.memory_space<hbm>>) dst(%arg7 : memref<80xf32, #tpu.memory_space<vmem>>)
      %add3A_35 = arith.constant 2 : i32
      %add3A_36 = arith.addi %mul3A_23, %add3A_35 : i32
      %dma_start3A_37 = arith.constant 0 : i32
      %dma_start3A_38 = tpu.memref_slice %arg6[%add3A_36, %dma_start3A_37] : memref<125x80xi32, #tpu.memory_space<vmem>> -> memref<1x80xi32, #tpu.memory_space<vmem>>
      %dma_start3A_39 = tpu.memref_squeeze %dma_start3A_38 : memref<1x80xi32, #tpu.memory_space<vmem>> -> memref<80xi32, #tpu.memory_space<vmem>>
      %dma_start3A_40 = arith.constant 0 : i32
      %dma_start3A_41 = tpu.memref_slice %arg9[%dma_start3A_40] : memref<10240xf32, #tpu.memory_space<vmem_shared>> -> memref<10240xf32, #tpu.memory_space<vmem_shared>>
      tpu.enqueue_indirect_dma source(%arg7 : memref<80xf32, #tpu.memory_space<vmem>>) target(%dma_start3A_41 : memref<10240xf32, #tpu.memory_space<vmem_shared>>) offsets(%dma_start3A_39 : memref<80xi32, #tpu.memory_space<vmem>>) semaphore(%arg10 : memref<!tpu.dma_semaphore, #tpu.memory_space<semaphore_mem>>) {add = true}
      %dma_wait3A_42 = arith.constant 0 : i32
      %dma_wait3A_43 = tpu.memref_slice %arg3[%dma_wait3A_42] : memref<640xf32, #tpu.memory_space<hbm>> -> memref<80xf32, #tpu.memory_space<hbm>>
      %dma_wait3A_44 = arith.constant 0 : i32
      %dma_wait3A_45 = tpu.memref_slice %arg3[%dma_wait3A_44] : memref<640xf32, #tpu.memory_space<hbm>> -> memref<80xf32, #tpu.memory_space<hbm>>
      tpu.wait_dma2 semaphore(%arg11 : memref<!tpu.dma_semaphore, #tpu.memory_space<semaphore_mem>>) src(%dma_wait3A_45 : memref<80xf32, #tpu.memory_space<hbm>>) dst(%arg7 : memref<80xf32, #tpu.memory_space<vmem>>)
    }
    %scan3A_12 = arith.constant 62 : i32
    %dma_wait3A = arith.constant 0 : i32
    %dma_wait3A_13 = tpu.memref_slice %arg3[%dma_wait3A] : memref<640xf32, #tpu.memory_space<hbm>> -> memref<80xf32, #tpu.memory_space<hbm>>
    %dma_wait3A_14 = arith.constant 0 : i32
    %dma_wait3A_15 = tpu.memref_slice %arg3[%dma_wait3A_14] : memref<640xf32, #tpu.memory_space<hbm>> -> memref<80xf32, #tpu.memory_space<hbm>>
    tpu.wait_dma2 semaphore(%arg10 : memref<!tpu.dma_semaphore, #tpu.memory_space<semaphore_mem>>) src(%dma_wait3A_15 : memref<80xf32, #tpu.memory_space<hbm>>) dst(%arg7 : memref<80xf32, #tpu.memory_space<vmem>>)
    %barrier3A_16 = arith.constant 0 : index
    tpu.barrier barrier_id(%barrier3A_16)
    %mul3A_17 = arith.constant 640 : i32
    %mul3A_18 = arith.muli %arg1, %mul3A_17 : i32
    "tpu.region"() ({
      %run_scoped3A = tpu.sem_alloc : memref<!tpu.dma_semaphore, #tpu.memory_space<semaphore_mem>>
      %dma_start3A_21 = tpu.memref_slice %arg9[%mul3A_18] : memref<10240xf32, #tpu.memory_space<vmem_shared>> -> memref<640xf32, #tpu.memory_space<vmem_shared>>
      %dma_start3A_22 = tpu.memref_slice %arg9[%mul3A_18] : memref<10240xf32, #tpu.memory_space<vmem_shared>> -> memref<640xf32, #tpu.memory_space<vmem_shared>>
      tpu.enqueue_dma source(%dma_start3A_22 : memref<640xf32, #tpu.memory_space<vmem_shared>>) target(%arg8 : memref<640xf32, #tpu.memory_space<vmem>>) target_semaphore(%run_scoped3A : memref<!tpu.dma_semaphore, #tpu.memory_space<semaphore_mem>>)
      %dma_wait3A_23 = tpu.memref_slice %arg9[%mul3A_18] : memref<10240xf32, #tpu.memory_space<vmem_shared>> -> memref<640xf32, #tpu.memory_space<vmem_shared>>
      %dma_wait3A_24 = tpu.memref_slice %arg9[%mul3A_18] : memref<10240xf32, #tpu.memory_space<vmem_shared>> -> memref<640xf32, #tpu.memory_space<vmem_shared>>
      tpu.wait_dma2 semaphore(%run_scoped3A : memref<!tpu.dma_semaphore, #tpu.memory_space<semaphore_mem>>) src(%dma_wait3A_24 : memref<640xf32, #tpu.memory_space<vmem_shared>>) dst(%arg8 : memref<640xf32, #tpu.memory_space<vmem>>)
      tpu.yield
    }) : () -> ()
    %mul3A_19 = arith.constant 640 : i32
    %mul3A_20 = arith.muli %arg1, %mul3A_19 : i32
    "tpu.region"() ({
      %run_scoped3A = tpu.sem_alloc : memref<!tpu.dma_semaphore, #tpu.memory_space<semaphore_mem>>
      %dma_start3A_21 = tpu.memref_slice %arg5[%arg0, %mul3A_20] : memref<2x10240xf32, #tpu.memory_space<hbm>> -> memref<1x640xf32, #tpu.memory_space<hbm>>
      %dma_start3A_22 = tpu.memref_squeeze %dma_start3A_21 : memref<1x640xf32, #tpu.memory_space<hbm>> -> memref<640xf32, #tpu.memory_space<hbm>>
      %dma_start3A_23 = tpu.memref_slice %arg5[%arg0, %mul3A_20] : memref<2x10240xf32, #tpu.memory_space<hbm>> -> memref<1x640xf32, #tpu.memory_space<hbm>>
      %dma_start3A_24 = tpu.memref_squeeze %dma_start3A_23 : memref<1x640xf32, #tpu.memory_space<hbm>> -> memref<640xf32, #tpu.memory_space<hbm>>
      tpu.enqueue_dma source(%arg8 : memref<640xf32, #tpu.memory_space<vmem>>) target(%dma_start3A_24 : memref<640xf32, #tpu.memory_space<hbm>>) target_semaphore(%run_scoped3A : memref<!tpu.dma_semaphore, #tpu.memory_space<semaphore_mem>>)
      %dma_wait3A_25 = tpu.memref_slice %arg5[%arg0, %mul3A_20] : memref<2x10240xf32, #tpu.memory_space<hbm>> -> memref<1x640xf32, #tpu.memory_space<hbm>>
      %dma_wait3A_26 = tpu.memref_squeeze %dma_wait3A_25 : memref<1x640xf32, #tpu.memory_space<hbm>> -> memref<640xf32, #tpu.memory_space<hbm>>
      %dma_wait3A_27 = tpu.memref_slice %arg5[%arg0, %mul3A_20] : memref<2x10240xf32, #tpu.memory_space<hbm>> -> memref<1x640xf32, #tpu.memory_space<hbm>>
      %dma_wait3A_28 = tpu.memref_squeeze %dma_wait3A_27 : memref<1x640xf32, #tpu.memory_space<hbm>> -> memref<640xf32, #tpu.memory_space<hbm>>
      tpu.wait_dma2 semaphore(%run_scoped3A : memref<!tpu.dma_semaphore, #tpu.memory_space<semaphore_mem>>) src(%arg8 : memref<640xf32, #tpu.memory_space<vmem>>) dst(%dma_wait3A_28 : memref<640xf32, #tpu.memory_space<hbm>>)
      tpu.yield
    }) : () -> ()
    return
  }
}

module attributes {stable_mosaic.version = 14 : i64} {
  func.func @_mm_body(%arg0: i32, %arg1: memref<1000x2xf32, #tpu.memory_space<vmem>>, %arg2: memref<1000x128xf32, #tpu.memory_space<vmem>>, %arg3: memref<128x128xf32, #tpu.memory_space<vmem>>, %arg4: memref<1x128xf32, #tpu.memory_space<vmem>>, %arg5: memref<1000x128xf32, #tpu.memory_space<vmem>>, %arg6: memref<1000x1xf32, #tpu.memory_space<vmem>>, %arg7: memref<128x128xf32, #tpu.memory_space<vmem>>) attributes {dimension_semantics = [#tpu.dimension_semantics<arbitrary>], iteration_bounds = array<i64: 10>, scalar_prefetch = 0 : i64, scratch_operands = 1 : i64, tpu.core_type = #tpu.core_type<tc>, window_params = [{transform_indices = @transform_0, window_bounds = array<i64: 1000, 2>}, {transform_indices = @transform_1, window_bounds = array<i64: 1000, 128>}, {pipeline_mode = #tpu.pipeline_mode<synchronous>, transform_indices = @transform_2, window_bounds = array<i64: 128, 128>}, {pipeline_mode = #tpu.pipeline_mode<synchronous>, transform_indices = @transform_3, window_bounds = array<i64: 1, 128>}, {transform_indices = @transform_4, window_bounds = array<i64: 1000, 128>}, {transform_indices = @transform_5, window_bounds = array<i64: 1000, 1>}]} {
    %eq3A = arith.constant 0 : i32
    %eq3A_0 = arith.cmpi eq, %arg0, %eq3A : i32
    %convert_element_type3A = arith.extui %eq3A_0 : i1 to i32
    %cond3A = arith.constant 0 : i32
    %cond3A_1 = arith.cmpi ne, %convert_element_type3A, %cond3A : i32
    scf.if %cond3A_1 {
      %get3A_21 = arith.constant 0 : index
      %get3A_22 = arith.constant 0 : index
      %get3A_23 = vector.load %arg3[%get3A_21, %get3A_22] : memref<128x128xf32, #tpu.memory_space<vmem>>, vector<128x128xf32>
      %get3A_24 = arith.constant 0 : index
      %get3A_25 = arith.constant 0 : index
      %get3A_26 = vector.load %arg4[%get3A_24, %get3A_25] : memref<1x128xf32, #tpu.memory_space<vmem>>, vector<1x128xf32>
      %dot_general3A_27 = arith.constant dense<0.000000e+00> : vector<1x128xf32>
      %dot_general3A_28 = tpu.matmul %get3A_26, %get3A_23, %dot_general3A_27 {dimension_numbers = #tpu.dot_dimension_numbers<[1], [0], [0], [1], [0, 0, 1, 1], [], []>, transpose_lhs_hint = false} : vector<1x128xf32>, vector<128x128xf32>, vector<1x128xf32> -> vector<1x128xf32>
      %mul3A_29 = arith.mulf %dot_general3A_28, %dot_general3A_28 : vector<1x128xf32>
      %reduce_sum3A = vector.shape_cast %mul3A_29 : vector<1x128xf32> to vector<1x1x128xf32>
      %reduce_sum3A_30 = arith.constant dense<0.000000e+00> : vector<1xf32>
      %reduce_sum3A_31 = vector.multi_reduction <add>, %reduce_sum3A, %reduce_sum3A_30 [1, 2] : vector<1x1x128xf32> to vector<1xf32>
      %reduce_sum3A_32 = vector.shape_cast %reduce_sum3A_31 : vector<1xf32> to vector<1x1x1xf32>
      %reduce_sum3A_33 = vector.extract %reduce_sum3A_32[0, 0, 0] : f32 from vector<1x1x1xf32>
      %sqrt3A = math.sqrt %reduce_sum3A_33 : f32
      %add3A_34 = arith.constant 9.99999996E-13 : f32
      %add3A_35 = arith.addf %sqrt3A, %add3A_34 : f32
      %div3A = vector.broadcast %add3A_35 : f32 to vector<1x128xf32>
      %div3A_36 = arith.divf %dot_general3A_28, %div3A : vector<1x128xf32>
      %dot_general3A_37 = arith.constant dense<0.000000e+00> : vector<1x128xf32>
      %dot_general3A_38 = tpu.matmul %div3A_36, %get3A_23, %dot_general3A_37 {dimension_numbers = #tpu.dot_dimension_numbers<[1], [1], [0], [0], [0, 0, 1, 0], [], []>, transpose_lhs_hint = false} : vector<1x128xf32>, vector<128x128xf32>, vector<1x128xf32> -> vector<1x128xf32>
      %mul3A_39 = arith.mulf %dot_general3A_38, %dot_general3A_38 : vector<1x128xf32>
      %reduce_sum3A_40 = vector.shape_cast %mul3A_39 : vector<1x128xf32> to vector<1x1x128xf32>
      %reduce_sum3A_41 = arith.constant dense<0.000000e+00> : vector<1xf32>
      %reduce_sum3A_42 = vector.multi_reduction <add>, %reduce_sum3A_40, %reduce_sum3A_41 [1, 2] : vector<1x1x128xf32> to vector<1xf32>
      %reduce_sum3A_43 = vector.shape_cast %reduce_sum3A_42 : vector<1xf32> to vector<1x1x1xf32>
      %reduce_sum3A_44 = vector.extract %reduce_sum3A_43[0, 0, 0] : f32 from vector<1x1x1xf32>
      %sqrt3A_45 = math.sqrt %reduce_sum3A_44 : f32
      %add3A_46 = arith.constant 9.99999996E-13 : f32
      %add3A_47 = arith.addf %sqrt3A_45, %add3A_46 : f32
      %div3A_48 = vector.broadcast %add3A_47 : f32 to vector<1x128xf32>
      %div3A_49 = arith.divf %dot_general3A_38, %div3A_48 : vector<1x128xf32>
      %mul3A_50 = arith.mulf %div3A_49, %dot_general3A_38 : vector<1x128xf32>
      %reduce_sum3A_51 = vector.shape_cast %mul3A_50 : vector<1x128xf32> to vector<1x1x128xf32>
      %reduce_sum3A_52 = arith.constant dense<0.000000e+00> : vector<1xf32>
      %reduce_sum3A_53 = vector.multi_reduction <add>, %reduce_sum3A_51, %reduce_sum3A_52 [1, 2] : vector<1x1x128xf32> to vector<1xf32>
      %reduce_sum3A_54 = vector.shape_cast %reduce_sum3A_53 : vector<1xf32> to vector<1x1x1xf32>
      %reduce_sum3A_55 = vector.extract %reduce_sum3A_54[0, 0, 0] : f32 from vector<1x1x1xf32>
      %div3A_56 = vector.broadcast %reduce_sum3A_55 : f32 to vector<128x128xf32>
      %div3A_57 = arith.divf %get3A_23, %div3A_56 : vector<128x128xf32>
      %swap3A_58 = arith.constant 0 : index
      %swap3A_59 = arith.constant 0 : index
      %swap3A_60 = vector.load %arg7[%swap3A_58, %swap3A_59] : memref<128x128xf32, #tpu.memory_space<vmem>>, vector<128x128xf32>
      tpu.vector_store %arg7[%swap3A_58, %swap3A_59], %div3A_57 {strides = array<i32>} : memref<128x128xf32, #tpu.memory_space<vmem>>, vector<128x128xf32>,
    } else {
    }
    %get3A = arith.constant 0 : index
    %get3A_2 = arith.constant 0 : index
    %get3A_3 = vector.load %arg1[%get3A, %get3A_2] : memref<1000x2xf32, #tpu.memory_space<vmem>>, vector<1000x2xf32>
    %slice3A = vector.extract_strided_slice %get3A_3 {offsets = [0, 0], sizes = [1000, 1], strides = [1, 1]} : vector<1000x2xf32> to vector<1000x1xf32>
    %slice3A_4 = vector.extract_strided_slice %get3A_3 {offsets = [0, 1], sizes = [1000, 1], strides = [1, 1]} : vector<1000x2xf32> to vector<1000x1xf32>
    %add3A = arith.addf %slice3A, %slice3A_4 : vector<1000x1xf32>
    %add3A_5 = arith.constant 1.000000e+00 : f32
    %add3A_6 = vector.broadcast %add3A_5 : f32 to vector<1000x1xf32>
    %add3A_7 = arith.addf %add3A, %add3A_6 : vector<1000x1xf32>
    %rsqrt3A = math.rsqrt %add3A_7 : vector<1000x1xf32>
    %swap3A = arith.constant 0 : index
    %swap3A_8 = arith.constant 0 : index
    %swap3A_9 = vector.load %arg6[%swap3A, %swap3A_8] : memref<1000x1xf32, #tpu.memory_space<vmem>>, vector<1000x1xf32>
    tpu.vector_store %arg6[%swap3A, %swap3A_8], %rsqrt3A {strides = array<i32>} : memref<1000x1xf32, #tpu.memory_space<vmem>>, vector<1000x1xf32>,
    %get3A_10 = arith.constant 0 : index
    %get3A_11 = arith.constant 0 : index
    %get3A_12 = vector.load %arg2[%get3A_10, %get3A_11] : memref<1000x128xf32, #tpu.memory_space<vmem>>, vector<1000x128xf32>
    %get3A_13 = arith.constant 0 : index
    %get3A_14 = arith.constant 0 : index
    %get3A_15 = vector.load %arg7[%get3A_13, %get3A_14] : memref<128x128xf32, #tpu.memory_space<vmem>>, vector<128x128xf32>
    %dot_general3A = arith.constant dense<0.000000e+00> : vector<1000x128xf32>
    %dot_general3A_16 = tpu.matmul %get3A_12, %get3A_15, %dot_general3A {dimension_numbers = #tpu.dot_dimension_numbers<[1], [1], [0], [0], [0, 0, 1, 0], [], []>, transpose_lhs_hint = false} : vector<1000x128xf32>, vector<128x128xf32>, vector<1000x128xf32> -> vector<1000x128xf32>
    %mul3A = vector.broadcast %rsqrt3A : vector<1000x1xf32> to vector<1000x128xf32>
    %mul3A_17 = arith.mulf %dot_general3A_16, %mul3A : vector<1000x128xf32>
    %swap3A_18 = arith.constant 0 : index
    %swap3A_19 = arith.constant 0 : index
    %swap3A_20 = vector.load %arg5[%swap3A_18, %swap3A_19] : memref<1000x128xf32, #tpu.memory_space<vmem>>, vector<1000x128xf32>
    tpu.vector_store %arg5[%swap3A_18, %swap3A_19], %mul3A_17 {strides = array<i32>} : memref<1000x128xf32, #tpu.memory_space<vmem>>, vector<1000x128xf32>,
    return
  }
  func.func @transform_0(%arg0: i32) -> (i32, i32) {
    %c0_i32 = arith.constant 0 : i32
    %c0_i32_0 = arith.constant 0 : i32
    return %arg0, %c0_i32 : i32, i32
  }
  func.func @transform_1(%arg0: i32) -> (i32, i32) {
    %c0_i32 = arith.constant 0 : i32
    %c0_i32_0 = arith.constant 0 : i32
    return %arg0, %c0_i32 : i32, i32
  }
  func.func @transform_2(%arg0: i32) -> (i32, i32) {
    %c0_i32 = arith.constant 0 : i32
    %c0_i32_0 = arith.constant 0 : i32
    %c0_i32_1 = arith.constant 0 : i32
    return %c0_i32, %c0_i32_0 : i32, i32
  }
  func.func @transform_3(%arg0: i32) -> (i32, i32) {
    %c0_i32 = arith.constant 0 : i32
    %c0_i32_0 = arith.constant 0 : i32
    %c0_i32_1 = arith.constant 0 : i32
    return %c0_i32, %c0_i32_0 : i32, i32
  }
  func.func @transform_4(%arg0: i32) -> (i32, i32) {
    %c0_i32 = arith.constant 0 : i32
    %c0_i32_0 = arith.constant 0 : i32
    return %arg0, %c0_i32 : i32, i32
  }
  func.func @transform_5(%arg0: i32) -> (i32, i32) {
    %c0_i32 = arith.constant 0 : i32
    %c0_i32_0 = arith.constant 0 : i32
    return %arg0, %c0_i32 : i32, i32
  }
}

module attributes {stable_mosaic.version = 14 : i64} {
  func.func @_ep_body(%arg0: i32, %arg1: memref<2x1000x128xf32, #tpu.memory_space<vmem>>, %arg2: memref<1000x128xf32, #tpu.memory_space<vmem>>, %arg3: memref<1000x1xf32, #tpu.memory_space<vmem>>, %arg4: memref<1x128xf32, #tpu.memory_space<vmem>>, %arg5: memref<1x1xf32, #tpu.memory_space<vmem>>, %arg6: memref<1000x128xf32, #tpu.memory_space<vmem>>) attributes {dimension_semantics = [#tpu.dimension_semantics<arbitrary>], iteration_bounds = array<i64: 10>, scalar_prefetch = 0 : i64, scratch_operands = 0 : i64, tpu.core_type = #tpu.core_type<tc>, window_params = [{transform_indices = @transform_0, window_bounds = array<i64: 2, 1000, 128>}, {transform_indices = @transform_1, window_bounds = array<i64: 1000, 128>}, {transform_indices = @transform_2, window_bounds = array<i64: 1000, 1>}, {pipeline_mode = #tpu.pipeline_mode<synchronous>, transform_indices = @transform_3, window_bounds = array<i64: 1, 128>}, {pipeline_mode = #tpu.pipeline_mode<synchronous>, transform_indices = @transform_4, window_bounds = array<i64: 1, 1>}, {transform_indices = @transform_5, window_bounds = array<i64: 1000, 128>}]} {
    %get3A = arith.constant 0 : index
    %get3A_0 = arith.constant 0 : index
    %get3A_1 = arith.constant 0 : index
    %get3A_2 = vector.load %arg1[%get3A, %get3A_0, %get3A_1] : memref<2x1000x128xf32, #tpu.memory_space<vmem>>, vector<1x1000x128xf32>
    %get3A_3 = vector.shape_cast %get3A_2 : vector<1x1000x128xf32> to vector<1000x128xf32>
    %get3A_4 = arith.constant 1 : index
    %get3A_5 = arith.constant 0 : index
    %get3A_6 = arith.constant 0 : index
    %get3A_7 = vector.load %arg1[%get3A_4, %get3A_5, %get3A_6] : memref<2x1000x128xf32, #tpu.memory_space<vmem>>, vector<1x1000x128xf32>
    %get3A_8 = vector.shape_cast %get3A_7 : vector<1x1000x128xf32> to vector<1000x128xf32>
    %add3A = arith.addf %get3A_3, %get3A_8 : vector<1000x128xf32>
    %get3A_9 = arith.constant 0 : index
    %get3A_10 = arith.constant 0 : index
    %get3A_11 = vector.load %arg2[%get3A_9, %get3A_10] : memref<1000x128xf32, #tpu.memory_space<vmem>>, vector<1000x128xf32>
    %add3A_12 = arith.addf %add3A, %get3A_11 : vector<1000x128xf32>
    %get3A_13 = arith.constant 0 : index
    %get3A_14 = arith.constant 0 : index
    %get3A_15 = vector.load %arg3[%get3A_13, %get3A_14] : memref<1000x1xf32, #tpu.memory_space<vmem>>, vector<1000x1xf32>
    %mul3A = vector.broadcast %get3A_15 : vector<1000x1xf32> to vector<1000x128xf32>
    %mul3A_16 = arith.mulf %add3A_12, %mul3A : vector<1000x128xf32>
    %get3A_17 = arith.constant 0 : index
    %get3A_18 = arith.constant 0 : index
    %get3A_19 = vector.load %arg4[%get3A_17, %get3A_18] : memref<1x128xf32, #tpu.memory_space<vmem>>, vector<1x128xf32>
    %add3A_20 = vector.broadcast %get3A_19 : vector<1x128xf32> to vector<1000x128xf32>
    %add3A_21 = arith.addf %mul3A_16, %add3A_20 : vector<1000x128xf32>
    %gt3A = arith.constant 0.000000e+00 : f32
    %gt3A_22 = vector.broadcast %gt3A : f32 to vector<1000x128xf32>
    %gt3A_23 = arith.cmpf ogt, %add3A_21, %gt3A_22 : vector<1000x128xf32>
    %get3A_24 = arith.constant 0 : index
    %get3A_25 = arith.constant 0 : index
    %get3A_26 = vector.load %arg5[%get3A_24, %get3A_25] : memref<1x1xf32, #tpu.memory_space<vmem>>, vector<1x1xf32>
    %get3A_27 = vector.extract %get3A_26[0, 0] : f32 from vector<1x1xf32>
    %mul3A_28 = vector.broadcast %get3A_27 : f32 to vector<1000x128xf32>
    %mul3A_29 = arith.mulf %mul3A_28, %add3A_21 : vector<1000x128xf32>
    %select_n3A = arith.select %gt3A_23, %add3A_21, %mul3A_29 : vector<1000x128xi1>, vector<1000x128xf32>
    %swap3A = arith.constant 0 : index
    %swap3A_30 = arith.constant 0 : index
    %swap3A_31 = vector.load %arg6[%swap3A, %swap3A_30] : memref<1000x128xf32, #tpu.memory_space<vmem>>, vector<1000x128xf32>
    tpu.vector_store %arg6[%swap3A, %swap3A_30], %select_n3A {strides = array<i32>} : memref<1000x128xf32, #tpu.memory_space<vmem>>, vector<1000x128xf32>,
    return
  }
  func.func @transform_0(%arg0: i32) -> (i32, i32, i32) {
    %c0_i32 = arith.constant 0 : i32
    %c0_i32_0 = arith.constant 0 : i32
    %c0_i32_1 = arith.constant 0 : i32
    return %c0_i32, %arg0, %c0_i32_0 : i32, i32, i32
  }
  func.func @transform_1(%arg0: i32) -> (i32, i32) {
    %c0_i32 = arith.constant 0 : i32
    %c0_i32_0 = arith.constant 0 : i32
    return %arg0, %c0_i32 : i32, i32
  }
  func.func @transform_2(%arg0: i32) -> (i32, i32) {
    %c0_i32 = arith.constant 0 : i32
    %c0_i32_0 = arith.constant 0 : i32
    return %arg0, %c0_i32 : i32, i32
  }
  func.func @transform_3(%arg0: i32) -> (i32, i32) {
    %c0_i32 = arith.constant 0 : i32
    %c0_i32_0 = arith.constant 0 : i32
    %c0_i32_1 = arith.constant 0 : i32
    return %c0_i32, %c0_i32_0 : i32, i32
  }
  func.func @transform_4(%arg0: i32) -> (i32, i32) {
    %c0_i32 = arith.constant 0 : i32
    %c0_i32_0 = arith.constant 0 : i32
    %c0_i32_1 = arith.constant 0 : i32
    return %c0_i32, %c0_i32_0 : i32, i32
  }
  func.func @transform_5(%arg0: i32) -> (i32, i32) {
    %c0_i32 = arith.constant 0 : i32
    %c0_i32_0 = arith.constant 0 : i32
    return %arg0, %c0_i32 : i32, i32
  }
}

</mosaic_0001>

<sc_bundles>
// kernel: kernel.6.cloned.1.call-start
scs
__scs_entry_jumppad:
0x0: {  	(pc) =	sbr.rel $0x88, $3  }
0x1: {  	(tag) =	ssettag $0x0;
	lr =	simm.s32 $0x1  }
0x2: {  	[smem:$0x3F9B] =	sst lr;
	_ =	strace $0xD0000000  }
0x3: {  	_ = 	snop  }
0x4: {  	_ = 	snop  }
0x5: {  	_ = 	snop  }
0x6: {  	_ = 	snop  }
0x7: {  	_ = 	snop  }
__scs_overlays_trampoline_lowered:
0x8: {  	[smem:$0x3FAA] =	sst s0  }
0x9: {  	[smem:$0x3FAB] =	sst s1  }
0xa: {  	[smem:$0x3FAC] =	sst s2  }
0xb: {  	[smem:$0x3FAD] =	sst s3  }
0xc: {  	[smem:$0x3FAE] =	sst s4  }
0xd: {  	[smem:$0x3FAF] =	sst s5  }
0xe: {  	[smem:$0x3FB0] =	sst s6  }
0xf: {  	[smem:$0x3FB1] =	sst s7  }
0x10: {  	[smem:$0x3FB2] =	sst s8  }
0x11: {  	[smem:$0x3FB3] =	sst s9;
	s0 =	simm.s32 @!p0 $0x0  }
0x12: {  	s1 =	sld [smem:$0x3F99];
	s0 =	simm.s32 @p0 $0x1  }
0x13: {  	[smem:$0x3FB4] =	sst s0;
	s0 =	simm.s32 @!p1 $0x0  }
0x14: {  	s2 =	sld [smem:$0x3F98];
	s0 =	simm.s32 @p1 $0x1  }
0x15: {  	[smem:$0x3FB5] =	sst s0;
	s0 =	simm.s32 @!p2 $0x0  }
0x16: {  	s3 =	sld [smem:$0x3FDB];
	s0 =	simm.s32 @p2 $0x1  }
0x17: {  	s4 =	simm.s32 $0x1BF5;
	[smem:$0x3FB7] =	sst s0  }
0x18: {  	s0 =	sld [smem:$0x3F9A];
	_ =	swait.ge [sflag:s4], $0x0  }
0x19: {  	s7 =	sld [smem:$0x3F9B]  }
0x1a: {  	s8 =	sadd.s32 $0xFFFFE003, lr  }
0x1b: {  	s9 =	sadd.s32 $0xFFFFFEF7, lr;
	s5 =	simm.s32 $0xFFFFFFFF;
	p2 =	slt.u32 s8, $0xFFFFF086  }
0x1c: {  	p1 =	slt.u32 s9, $0xF7A;
	s5 =	simm.s32 @!p2 $0x0  }
0x1d: {  	s5 =	simm.s32 @p1 $0x1;
	p0 =	seq.s32 s7, s2  }
0x1e: {  	s7 =	smul.u32 @!p0 $0xF7A, s2;
	p2 =	seq.s32 @!p0 s5, $0x0  }
0x1f: {  	s9 =	smul.u32 $0xF7A, s1;
	s8 =	simm.s32 @!p0 $0x1BF5;
	p2 =	por !p2, p0  }
0x20: {  	[sflag:s8] =	ssyncset.s32 @!p0 $0xFFFFF086;
	s6 =	sadd.s32 @!p0 s3, s7;
	s7 =	simm.s32 @!p0 $0x108  }
0x21: {  	s3 =	sadd.s32 s3, s9;
	s6 =	sadd.s32 @!p0 $0x88, s6;
	s7 =	simm.s32 @p2 $0x1082  }
0x22: {  	[simem:s7], [sflag:s8] =	dma.local @!p0 [hbm:s6], $0xF7A  }
0x23: {  	s9 =	sor.u32 $0xD0000000, s2;
	s6 =	simm.s32 $0x108;
	_ =	swait.ge @!p0 [sflag:s8], $0x0  }
0x24: {  	s3 =	sadd.s32 $0x88, s3;
	s6 =	simm.s32 @!p1 $0x1082;
	[sflag:s4] =	ssyncset.s32 $0xFFFFF086  }
0x25: {  	[simem:s6], [sflag:s4] =	dma.local [hbm:s3], $0xF7A  }
0x26: {  	[smem:$0x3F9B] =	sst s1;
	(tag) =	ssettag s2;
	_ =	strace s9  }
0x27: {  	s1 =	sld [smem:$0x3FAB]  }
0x28: {  	s2 =	sld [smem:$0x3FAC]  }
0x29: {  	s4 =	sld [smem:$0x3FAE]  }
0x2a: {  	p0 =	seq.s32 s5, $0x0;
	s5 =	sld [smem:$0x3FAF]  }
0x2b: {  	s6 =	sld [smem:$0x3FB0]  }
0x2c: {  	s7 =	sld [smem:$0x3FB1]  }
0x2d: {  	s3 =	simm.s32 $0x108;
	s8 =	sld [smem:$0x3FB2]  }
0x2e: {  	s3 =	simm.s32 @!p0 $0x1082;
	s9 =	sld [smem:$0x3FB3]  }
0x2f: {  	lr =	sadd.s32 s0, s3;
	s0 =	sld [smem:$0x3FAA]  }
0x30: {  	s3 =	sld [smem:$0x3FAD]  }
0x31: {  	[smem:$0x3FB6] =	sst s10  }
0x32: {  	s10 =	sld [smem:$0x3FB4];
	_ =	sdelay $0x3  }
0x33: {  	p0 =	seq.s32 s10, $0x1;
	s10 =	sld [smem:$0x3FB6];
	_ =	sdelay $0x3  }
0x34: {  	[smem:$0x3FB6] =	sst s10  }
0x35: {  	s10 =	sld [smem:$0x3FB5];
	_ =	sdelay $0x3  }
0x36: {  	p1 =	seq.s32 s10, $0x1;
	s10 =	sld [smem:$0x3FB6];
	_ =	sdelay $0x3  }
0x37: {  	[smem:$0x3FB6] =	sst s10  }
0x38: {  	s10 =	sld [smem:$0x3FB7]  }
0x39: {  	_ = 	snop;
	(pc) =	sbr.ind lr, $3  }
0x3a: {  	_ = 	snop  }
0x3b: {  	_ = 	snop  }
0x3c: {  	p2 =	seq.s32 s10, $0x1;
	s10 =	sld [smem:$0x3FB6]  }
0x3d: {  	_ =	shalt  }
0x3e: {  	_ =	shalt  }
0x3f: {  	_ =	shalt  }
0x40: {  	_ =	shalt  }
0x41: {  	_ =	shalt  }
0x42: {  	_ =	shalt  }
0x43: {  	_ =	shalt  }
0x44: {  	_ =	shalt  }
0x45: {  	_ =	shalt  }
0x46: {  	_ =	shalt  }
0x47: {  	_ =	shalt  }
0x48: {  	_ =	shalt  }
0x49: {  	_ =	shalt  }
0x4a: {  	_ =	shalt  }
0x4b: {  	_ =	shalt  }
0x4c: {  	_ =	shalt  }
0x4d: {  	_ =	shalt  }
0x4e: {  	_ =	shalt  }
0x4f: {  	_ =	shalt  }
0x50: {  	_ =	shalt  }
0x51: {  	_ =	shalt  }
0x52: {  	_ =	shalt  }
0x53: {  	_ =	shalt  }
0x54: {  	_ =	shalt  }
0x55: {  	_ =	shalt  }
0x56: {  	_ =	shalt  }
0x57: {  	_ =	shalt  }
0x58: {  	_ =	shalt  }
0x59: {  	_ =	shalt  }
0x5a: {  	_ =	shalt  }
0x5b: {  	_ =	shalt  }
0x5c: {  	_ =	shalt  }
0x5d: {  	_ =	shalt  }
0x5e: {  	_ =	shalt  }
0x5f: {  	_ =	shalt  }
0x60: {  	_ =	shalt  }
0x61: {  	_ =	shalt  }
0x62: {  	_ =	shalt  }
0x63: {  	_ =	shalt  }
0x64: {  	_ =	shalt  }
0x65: {  	_ =	shalt  }
0x66: {  	_ =	shalt  }
0x67: {  	_ =	shalt  }
0x68: {  	_ =	shalt  }
0x69: {  	_ =	shalt  }
0x6a: {  	_ =	shalt  }
0x6b: {  	_ =	shalt  }
0x6c: {  	_ =	shalt  }
0x6d: {  	_ =	shalt  }
0x6e: {  	_ =	shalt  }
0x6f: {  	_ =	shalt  }
0x70: {  	_ =	shalt  }
0x71: {  	_ =	shalt  }
0x72: {  	_ =	shalt  }
0x73: {  	_ =	shalt  }
0x74: {  	_ =	shalt  }
0x75: {  	_ =	shalt  }
0x76: {  	_ =	shalt  }
0x77: {  	_ =	shalt  }
0x78: {  	_ =	shalt  }
0x79: {  	_ =	shalt  }
0x7a: {  	_ =	shalt  }
0x7b: {  	_ =	shalt  }
0x7c: {  	_ =	shalt  }
0x7d: {  	_ =	shalt  }
0x7e: {  	_ =	shalt  }
0x7f: {  	_ =	shalt  }
0x80: {  	_ =	shalt  }
0x81: {  	_ =	shalt  }
0x82: {  	_ =	shalt  }
0x83: {  	_ =	shalt  }
0x84: {  	_ =	shalt  }
0x85: {  	_ =	shalt  }
0x86: {  	_ =	shalt  }
0x87: {  	_ =	shalt  }
.Lfunc_end0:
.L_simem_size_0:
called_computation_lowered:
.L_overlay_start_0:
0x88: {  	s2 =	sld [smem:$0x3FD9]  }
0x89: {  	s3 =	sld [smem:$0x3FFE];
	_ =	sdelay $0x1  }
0x8a: {  	s1 =	srdreg.scid  }
0x8b: {  	s0 =	sand.u32 $0x1, s1  }
0x8c: {  	s17 =	sshll.u32 s0, $0xA;
	s2 =	sadd.s32 s3, s2  }
0x8d: {  	s2 =	sadd.s32 s2, s17  }
0x8e: {  	[smem:$0x3FC2] =	sst s2  }
0x8f: {  	_ = 	snop  }
0x90: {  	s2 =	sld [smem:$0x3FD0];
	(tm) =	ssettm $0x1  }
0x91: {  	s18 =	sld [smem:$0x3FFB];
	_ =	sdelay $0x3  }
0x92: {  	_ =	strace s18  }
0x93: {  	s3 =	sld [smem:$0x3FFC];
	_ =	sdelay $0x3  }
0x94: {  	_ =	strace s3  }
0x95: {  	s3 =	sld [smem:$0x3FFD];
	_ =	sdelay $0x3  }
0x96: {  	_ =	strace s3  }
0x97: {  	_ =	strace $0x8FFFFFFF  }
0x98: {  	s19 =	sld [smem:$0x3FDB];
	_ =	sdelay $0x1  }
0x99: {  	s4 =	simm.s32 $_scs_section_size  }
0x9a: {  	s5 =	simm.s32 $_size__tile_overlayer_lowered;
	s6 =	simm.s32 $_tile_overlayer_lowered  }
0x9b: {  	s22 =	simm.s32 $0x1BFF;
	s21 =	sshll.u32 s6, $0x1;
	s3 =	sadd.s32 s4, s19  }
0x9c: {  	s7 =	simm.s32 $0x0;
	s20 =	sshll.u32 s5, $0x1;
	s5 =	sadd.s32 s21, s3  }
0x9d: {  	[timem:s7], [sflag:s22] =	dma.local [hbm:s5], s20  }
0x9e: {  	_ =	swait.ge [sflag:s22], s20  }
0x9f: {  	s4 =	ssub.s32 $0x0, s20;
	[sflag:s22] =	ssyncset.done $0x0  }
0xa0: {  	[sflag:s22] =	ssyncadd.s32 s4;
	_ =	sdelay $0x1  }
0xa1: {  	s23 =	simm.s32 $0x1B8B  }
0xa2: {  	_ =	swait.ge [sflag:s23], $0x1  }
0xa3: {  	[sflag:s23] =	ssyncset.done $0x0  }
0xa4: {  	s25 =	simm.s32 $0x1B8E;
	s24 =	sld [smem:$0x3FFE];
	[sflag:s23] =	ssyncadd.s32 $0xFFFFFFFF  }
0xa5: {  	s26 =	simm.s32 $execute0_lowered;
	[smem:$0x3FD2] =	sst s25  }
0xa6: {  	s5 =	sshll.u32 s26, $0x1;
	_ =	strace $0x80000046;
	[dreg:$0x1] =	wrdreg $0xFFFFFFFF  }
0xa7: {  	s28 =	simm.s32 $_size_execute0_lowered;
	s3 =	sadd.s32 s3, s5;
	[dreg:$0x0] =	wrdreg $0x0  }
0xa8: {  	s5 =	sshll.u32 s28, $0x1;
	[dreg:$0x2] =	wrdreg s3  }
0xa9: {  	[dreg:$0x3] =	wrdreg s5  }
0xaa: {  	[dreg:$0x4] =	wrdreg $0xC0  }
0xab: {  	_ =	task [dreg:s7], $0x5FFFF  }
0xac: {  	[dreg:$0x1] =	wrdreg $0xFFFFFFFF  }
0xad: {  	[dreg:$0x0] =	wrdreg $0x60  }
0xae: {  	[dreg:$0x2] =	wrdreg s24  }
0xaf: {  	[dreg:$0x3] =	wrdreg s2  }
0xb0: {  	[dreg:$0x4] =	wrdreg $0x43000  }
0xb1: {  	[dreg:$0x5] =	wrdreg $0x9  }
0xb2: {  	_ =	task.clear_ibuf [dreg:s7], $0x6FFFF;
	_ =	strace $0x90000046  }
0xb3: {  	s29 =	simm.s32 $0x9;
	_ =	strace $0x80000048  }
0xb4: {  	_ =	swait.ge [sflag:s29], $0x1  }
0xb5: {  	[sflag:s29] =	ssyncadd.s32 $0xFFFFFFFF  }
0xb6: {  	_ =	strace $0x90000048  }
0xb7: {  	_ =	sfence  }
0xb8: {  	s30 =	sld [smem:$0x0];
	_ =	sdelay $0x2  }
0xb9: {  	s31 =	sshll.u32 s1, $0xD;
	s1 =	sshrl.u32 s1, $0x2  }
0xba: {  	s3 =	sand.u32 $0x4000, s31;
	s1 =	sadd.s32 s1, s30  }
0xbb: {  	s0 =	sor.u32 s3, s0;
	s1 =	sshll.u32 s1, $0x11  }
0xbc: {  	s0 =	sor.u32 s1, s0  }
0xbd: {  	s0 =	sadd.s32 $0x8F2B, s0  }
0xbe: {  	[sflag:s0] =	ssyncadd.remote.s32 $0x1  }
0xbf: {  	_ =	sfence.sel $0xFFFF  }
0xc0: {  	[dreg:$0x0] =	wrdreg $0xFFFFFFFF;
	(pc) =	sbr.abs _section_cstart, $3  }
0xc1: {  	[dreg:$0x1] =	wrdreg $0xFFFFFFFF  }
0xc2: {  	_ =	task.clear_ibuf [dreg:s7], $0x2FFFF;
	_ =	strace $0x9FFFFFFF  }
0xc3: {  	(tm) =	ssettm $0x7FFFFFFF  }
tec
execute0_lowered:
.L_overlay_start_1:
0x0: {  	(tag) =	ssettag $0x1  }
0x1: {  	s5 =	rddreg [dreg:$0x0]  }
0x2: {  	s8 =	rddreg [dreg:$0x1]  }
0x3: {  	s2 =	rddreg [dreg:$0x2]  }
0x4: {  	s0 =	rddreg [dreg:$0x3];
	s3 =	simm.s32 $0x0  }
0x5: {  	s1 =	stileid.u32;
	s4 =	srdreg.scid;
	s13 =	simm.s32 $0x50  }
0x6: {  	s14 =	simm.s32 $0x1;
	s15 =	simm.s32 $0x2;
	s16 =	simm.s32 $0x80  }
0x7: {  	s17 =	simm.s32 $0x100;
	s18 =	simm.s32 $0x0;
	[smem:$0x7FF] =	sst s3  }
0x8: {  	s6 =	sshll.u32 s1, $0xB;
	s7 =	sand.u32 $0x1, s4;
	s10 =	smul.u32 $0xA00, s1  }
0x9: {  	s4 =	sadd.s32 $0x11E00, s5;
	s12 =	smul.u32 $0x500, s1;
	_ =	strace $0x80000047  }
0xa: {  	s9 =	sadd.s32 s6, s5;
	s29 =	ssub.s32 $0x2, s7;
	s5 =	sadd.s32 $0x11C00, s5  }
0xb: {  	s30 =	sshll.u32 s7, $0x7;
	s7 =	sshll.u32 s7, $0xF;
	s11 =	sshrl.u32 s29, $0x1  }
0xc: {  	s10 =	sshrl.u32 s10, $0x2;
	s12 =	sor.u32 s30, s12;
	s7 =	sadd.s32 s7, s9  }
0xd: {  	s11 =	ssub.s32 s29, s11;
	s6 =	sadd.s32 s10, s2;
	s31 =	sshrl.u32 s12, $0x3  }
0xe: {  	s7 =	sadd.s32 $0x1C00, s7;
	s10 =	simm.s32 $0x4080;
	s12 =	simm.s32 $0x4000  }
0xf: {  	s8 =	sadd.s32 s8, s31;
	s9 =	smax.u32 s11, $0x1;
	s11 =	simm.s32 $0x3  }
.LBB2_1:
0x10: {  	[tilespmem:s10], [sflag:$0x3] =	stream.linear.gather [hbm4b:s4+s3], $0x280, $0x38;
	[tilespmem:$0x4580] =	vst v63  }
0x11: {  	_ =	swait.ge [sflag:s11], $0x280  }
0x12: {  	[sflag:s11] =	ssyncset.done $0x0  }
0x13: {  	[sflag:s11] =	ssyncadd.s32 $0xFFFFFD80  }
0x14: {  	[tilespmem:s12], [sflag:$0x3] =	stream.linear.gather [hbm4b:s5+s3], $0x80, $0x38;
	[tilespmem:$0x4580] =	vst v63  }
0x15: {  	_ =	swait.ge [sflag:s11], $0x80  }
0x16: {  	[sflag:s11] =	ssyncset.done $0x0  }
0x17: {  	[sflag:s11] =	ssyncadd.s32 $0xFFFFFF80  }
0x18: {  	[spmem:s6] =	stream.linear.scatter [tilespmem:s10], [sflag:$0x3], $0x280, $0x38;
	[tilespmem:$0x4580] =	vst v63  }
0x19: {  	_ =	swait.ge [sflag:s11], $0x280  }
0x1a: {  	[sflag:s11] =	ssyncset.done $0x0  }
0x1b: {  	[sflag:s11] =	ssyncadd.s32 $0xFFFFFD80  }
0x1c: {  	[tilespmem:s3], [sflag:$0x3] =	stream.linear.gather [hbm4b:s7+s3], $0x3E80, $0x38;
	[tilespmem:$0x4580] =	vst v63  }
0x1d: {  	_ =	swait.ge [sflag:s11], $0x3E80  }
0x1e: {  	[sflag:s11] =	ssyncset.done $0x0  }
0x1f: {  	[sflag:s11] =	ssyncadd.s32 $0xFFFFC180  }
0x20: {  	[bflag:$0x0] =	sbarrier.arrive $0xFFFF  }
0x21: {  	[spmem:s2] =	stream.indirect.scatter.add.f32 [tilespmem:s12], [sflag:$0x1], $0x1, s3, s13, $0xb8;
	[tilespmem:$0x4580] =	vst v63  }
0x22: {  	s19 =	simm.s32 $0x80  }
0x23: {  	[spmem:s2] =	stream.indirect.scatter.add.f32 [tilespmem:s12], [sflag:$0x2], $0x1, s19, s13, $0xb8;
	[tilespmem:$0x4580] =	vst v63  }
0x24: {  	_ =	swait.ge [sflag:s14], $0x50  }
0x25: {  	[sflag:s14] =	ssyncset.done $0x0  }
0x26: {  	s31 =	simm.s32 $0x100;
	[sflag:s14] =	ssyncadd.s32 $0xFFFFFFB0  }
0x27: {  	[spmem:s2] =	stream.indirect.scatter.add.f32 [tilespmem:s12], [sflag:$0x1], $0x1, s31, s13, $0xb8;
	[tilespmem:$0x4580] =	vst v63  }
0x28: {  	_ =	swait.ge [sflag:s15], $0x50  }
0x29: {  	s20 =	simm.s32 $0xFFFF1000;
	s19 =	simm.s32 $0xFFFFC300;
	[sflag:s15] =	ssyncset.done $0x0  }
.LBB2_2:
0x2a: {  	s21 =	sadd.s32 $0x3E80, s19  }
0x2b: {  	[sflag:s15] =	ssyncadd.s32 $0xFFFFFFB0;
	s22 =	smov.u32 s20;
	s23 =	sadd.s32 $0x400, s20  }
0x2c: {  	[spmem:s2] =	stream.indirect.scatter.add.f32 [tilespmem:s12], [sflag:$0x2], $0x1, s21, s13, $0xb8;
	[tilespmem:$0x4580] =	vst v63  }
0x2d: {  	p0 =	sne.s32 s20, $0xFFFFFC00;
	_ =	swait.ge [sflag:s14], $0x50  }
.Ltmp0:
0x2e: {  	[sflag:s14] =	ssyncset.done $0x0;
	(pc) =	sbr.rel @p0 .LBB2_2-.Ltmp0, $4  }
0x2f: {  	s19 =	sadd.s32 $0x3F00, s19;
	[sflag:s14] =	ssyncadd.s32 $0xFFFFFFB0  }
0x30: {  	[spmem:s2] =	stream.indirect.scatter.add.f32 [tilespmem:s12], [sflag:$0x1], $0x1, s19, s13, $0xb8;
	[tilespmem:$0x4580] =	vst v63  }
0x31: {  	_ =	swait.ge [sflag:s15], $0x50  }
0x32: {  	s20 =	smov.u32 s23;
	s19 =	sshra.s32 s22, $0x2;
	[sflag:s15] =	ssyncset.done $0x0  }
0x33: {  	s20 =	sadd.s32 $0x3E80, s19;
	[sflag:s15] =	ssyncadd.s32 $0xFFFFFFB0  }
0x34: {  	[spmem:s2] =	stream.indirect.scatter.add.f32 [tilespmem:s12], [sflag:$0x2], $0x1, s20, s13, $0xb8;
	[tilespmem:$0x4580] =	vst v63  }
0x35: {  	_ =	swait.ge [sflag:s14], $0x50  }
0x36: {  	[sflag:s14] =	ssyncset.done $0x0  }
0x37: {  	s31 =	sadd.s32 $0x3F00, s19;
	[sflag:s14] =	ssyncadd.s32 $0xFFFFFFB0  }
0x38: {  	[spmem:s2] =	stream.indirect.scatter.add.f32 [tilespmem:s12], [sflag:$0x1], $0x1, s31, s13, $0xb8;
	[tilespmem:$0x4580] =	vst v63  }
0x39: {  	_ =	swait.ge [sflag:s15], $0x50  }
0x3a: {  	[sflag:s15] =	ssyncset.done $0x0  }
0x3b: {  	[sflag:s15] =	ssyncadd.s32 $0xFFFFFFB0  }
0x3c: {  	_ =	swait.ge [sflag:s14], $0x50  }
0x3d: {  	[sflag:s14] =	ssyncset.done $0x0  }
0x3e: {  	[sflag:s14] =	ssyncadd.s32 $0xFFFFFFB0  }
0x3f: {  	[bflag:$0x0] =	sbarrier.arrive $0xFFFF  }
0x40: {  	[tilespmem:s10], [sflag:$0x3] =	stream.linear.gather [spmem:s6], $0x280, $0x38;
	[tilespmem:$0x4580] =	vst v63  }
0x41: {  	s18 =	sadd.s32 $0x1, s18;
	_ =	swait.ge [sflag:s11], $0x280  }
0x42: {  	p0 =	sne.s32 s18, s9;
	[sflag:s11] =	ssyncset.done $0x0  }
.Ltmp1:
0x43: {  	[sflag:s11] =	ssyncadd.s32 $0xFFFFFD80;
	(pc) =	sbr.rel @p0 .LBB2_1-.Ltmp1, $4  }
0x44: {  	[hbm4b:s8+s16] =	stream.strided.scatter [tilespmem:s10], [sflag:$0x3], $0x280, s17, s16, $0x38;
	[tilespmem:$0x4580] =	vst v63  }
0x45: {  	_ =	swait.ge [sflag:s11], $0x280  }
0x46: {  	[sflag:s11] =	ssyncset.done $0x0  }
0x47: {  	[sflag:s11] =	ssyncadd.s32 $0xFFFFFD80  }
0x48: {  	_ =	sfence.sel $0x180000  }
0x49: {  	[bflag:$0x0] =	sbarrier.arrive $0xFFFF  }
0x4a: {  	p0 =	sne.s32 s1, $0x0;
	_ =	strace $0x90000047  }
0x4b: {  	s0 =	sadd.s32 @!p0 $0x100000, s0;
	[bflag:$0x2] =	sbarrier.arrive $0xFFFF  }
0x4c: {  	[sflag:s0] =	ssyncadd.tile.s32 @!p0 $0x1;
	_ =	shalt  }
.Lfunc_end2:
_tile_overlayer_lowered:
.L_overlay_start_2:
0x4d: {  	(tag) =	ssettag $0x2  }
0x4e: {  	s0 =	rddreg [dreg:$0x0];
	s2 =	stileid.u32  }
0x4f: {  	s1 =	rddreg [dreg:$0x1];
	p0 =	sne.s32 s2, $0x0  }
0x50: {  	s3 =	rddreg [dreg:$0x2];
	[bflag:$0x3] =	sbarrier.arrive $0xFFFF;
	s2 =	simm.s32 @!p0 $0x1C03  }
0x51: {  	[timem:s3], [sflag:s2] =	dma.local @!p0 [hbm:s0], s1  }
0x52: {  	s0 =	simm.s32 @!p0 $0x3  }
0x53: {  	_ =	swait.ge @!p0 [sflag:s0], s1  }
0x54: {  	s1 =	ssub.s32 @!p0 $0x0, s1;
	[sflag:s0] =	ssyncset.done @!p0 $0x0  }
0x55: {  	[sflag:s0] =	ssyncadd.s32 @!p0 s1  }
0x56: {  	[bflag:$0x3] =	sbarrier.arrive $0xFFFF  }
0x57: {  	_ =	shalt  }

// kernel: kernel.9.cloned.1.call-start
scs
__scs_entry_jumppad:
0x0: {  	(pc) =	sbr.rel $0x88, $3  }
0x1: {  	(tag) =	ssettag $0x0;
	lr =	simm.s32 $0x1  }
0x2: {  	[smem:$0x3F9B] =	sst lr;
	_ =	strace $0xD0000000  }
0x3: {  	_ = 	snop  }
0x4: {  	_ = 	snop  }
0x5: {  	_ = 	snop  }
0x6: {  	_ = 	snop  }
0x7: {  	_ = 	snop  }
__scs_overlays_trampoline_lowered:
0x8: {  	[smem:$0x3FAA] =	sst s0  }
0x9: {  	[smem:$0x3FAB] =	sst s1  }
0xa: {  	[smem:$0x3FAC] =	sst s2  }
0xb: {  	[smem:$0x3FAD] =	sst s3  }
0xc: {  	[smem:$0x3FAE] =	sst s4  }
0xd: {  	[smem:$0x3FAF] =	sst s5  }
0xe: {  	[smem:$0x3FB0] =	sst s6  }
0xf: {  	[smem:$0x3FB1] =	sst s7  }
0x10: {  	[smem:$0x3FB2] =	sst s8  }
0x11: {  	[smem:$0x3FB3] =	sst s9;
	s0 =	simm.s32 @!p0 $0x0  }
0x12: {  	s1 =	sld [smem:$0x3F99];
	s0 =	simm.s32 @p0 $0x1  }
0x13: {  	[smem:$0x3FB4] =	sst s0;
	s0 =	simm.s32 @!p1 $0x0  }
0x14: {  	s2 =	sld [smem:$0x3F98];
	s0 =	simm.s32 @p1 $0x1  }
0x15: {  	[smem:$0x3FB5] =	sst s0;
	s0 =	simm.s32 @!p2 $0x0  }
0x16: {  	s3 =	sld [smem:$0x3FDB];
	s0 =	simm.s32 @p2 $0x1  }
0x17: {  	s4 =	simm.s32 $0x1BF5;
	[smem:$0x3FB7] =	sst s0  }
0x18: {  	s0 =	sld [smem:$0x3F9A];
	_ =	swait.ge [sflag:s4], $0x0  }
0x19: {  	s7 =	sld [smem:$0x3F9B]  }
0x1a: {  	s8 =	sadd.s32 $0xFFFFE003, lr  }
0x1b: {  	s9 =	sadd.s32 $0xFFFFFEF7, lr;
	s5 =	simm.s32 $0xFFFFFFFF;
	p2 =	slt.u32 s8, $0xFFFFF086  }
0x1c: {  	p1 =	slt.u32 s9, $0xF7A;
	s5 =	simm.s32 @!p2 $0x0  }
0x1d: {  	s5 =	simm.s32 @p1 $0x1;
	p0 =	seq.s32 s7, s2  }
0x1e: {  	s7 =	smul.u32 @!p0 $0xF7A, s2;
	p2 =	seq.s32 @!p0 s5, $0x0  }
0x1f: {  	s9 =	smul.u32 $0xF7A, s1;
	s8 =	simm.s32 @!p0 $0x1BF5;
	p2 =	por !p2, p0  }
0x20: {  	[sflag:s8] =	ssyncset.s32 @!p0 $0xFFFFF086;
	s6 =	sadd.s32 @!p0 s3, s7;
	s7 =	simm.s32 @!p0 $0x108  }
0x21: {  	s3 =	sadd.s32 s3, s9;
	s6 =	sadd.s32 @!p0 $0x88, s6;
	s7 =	simm.s32 @p2 $0x1082  }
0x22: {  	[simem:s7], [sflag:s8] =	dma.local @!p0 [hbm:s6], $0xF7A  }
0x23: {  	s9 =	sor.u32 $0xD0000000, s2;
	s6 =	simm.s32 $0x108;
	_ =	swait.ge @!p0 [sflag:s8], $0x0  }
0x24: {  	s3 =	sadd.s32 $0x88, s3;
	s6 =	simm.s32 @!p1 $0x1082;
	[sflag:s4] =	ssyncset.s32 $0xFFFFF086  }
0x25: {  	[simem:s6], [sflag:s4] =	dma.local [hbm:s3], $0xF7A  }
0x26: {  	[smem:$0x3F9B] =	sst s1;
	(tag) =	ssettag s2;
	_ =	strace s9  }
0x27: {  	s1 =	sld [smem:$0x3FAB]  }
0x28: {  	s2 =	sld [smem:$0x3FAC]  }
0x29: {  	s4 =	sld [smem:$0x3FAE]  }
0x2a: {  	p0 =	seq.s32 s5, $0x0;
	s5 =	sld [smem:$0x3FAF]  }
0x2b: {  	s6 =	sld [smem:$0x3FB0]  }
0x2c: {  	s7 =	sld [smem:$0x3FB1]  }
0x2d: {  	s3 =	simm.s32 $0x108;
	s8 =	sld [smem:$0x3FB2]  }
0x2e: {  	s3 =	simm.s32 @!p0 $0x1082;
	s9 =	sld [smem:$0x3FB3]  }
0x2f: {  	lr =	sadd.s32 s0, s3;
	s0 =	sld [smem:$0x3FAA]  }
0x30: {  	s3 =	sld [smem:$0x3FAD]  }
0x31: {  	[smem:$0x3FB6] =	sst s10  }
0x32: {  	s10 =	sld [smem:$0x3FB4];
	_ =	sdelay $0x3  }
0x33: {  	p0 =	seq.s32 s10, $0x1;
	s10 =	sld [smem:$0x3FB6];
	_ =	sdelay $0x3  }
0x34: {  	[smem:$0x3FB6] =	sst s10  }
0x35: {  	s10 =	sld [smem:$0x3FB5];
	_ =	sdelay $0x3  }
0x36: {  	p1 =	seq.s32 s10, $0x1;
	s10 =	sld [smem:$0x3FB6];
	_ =	sdelay $0x3  }
0x37: {  	[smem:$0x3FB6] =	sst s10  }
0x38: {  	s10 =	sld [smem:$0x3FB7]  }
0x39: {  	_ = 	snop;
	(pc) =	sbr.ind lr, $3  }
0x3a: {  	_ = 	snop  }
0x3b: {  	_ = 	snop  }
0x3c: {  	p2 =	seq.s32 s10, $0x1;
	s10 =	sld [smem:$0x3FB6]  }
0x3d: {  	_ =	shalt  }
0x3e: {  	_ =	shalt  }
0x3f: {  	_ =	shalt  }
0x40: {  	_ =	shalt  }
0x41: {  	_ =	shalt  }
0x42: {  	_ =	shalt  }
0x43: {  	_ =	shalt  }
0x44: {  	_ =	shalt  }
0x45: {  	_ =	shalt  }
0x46: {  	_ =	shalt  }
0x47: {  	_ =	shalt  }
0x48: {  	_ =	shalt  }
0x49: {  	_ =	shalt  }
0x4a: {  	_ =	shalt  }
0x4b: {  	_ =	shalt  }
0x4c: {  	_ =	shalt  }
0x4d: {  	_ =	shalt  }
0x4e: {  	_ =	shalt  }
0x4f: {  	_ =	shalt  }
0x50: {  	_ =	shalt  }
0x51: {  	_ =	shalt  }
0x52: {  	_ =	shalt  }
0x53: {  	_ =	shalt  }
0x54: {  	_ =	shalt  }
0x55: {  	_ =	shalt  }
0x56: {  	_ =	shalt  }
0x57: {  	_ =	shalt  }
0x58: {  	_ =	shalt  }
0x59: {  	_ =	shalt  }
0x5a: {  	_ =	shalt  }
0x5b: {  	_ =	shalt  }
0x5c: {  	_ =	shalt  }
0x5d: {  	_ =	shalt  }
0x5e: {  	_ =	shalt  }
0x5f: {  	_ =	shalt  }
0x60: {  	_ =	shalt  }
0x61: {  	_ =	shalt  }
0x62: {  	_ =	shalt  }
0x63: {  	_ =	shalt  }
0x64: {  	_ =	shalt  }
0x65: {  	_ =	shalt  }
0x66: {  	_ =	shalt  }
0x67: {  	_ =	shalt  }
0x68: {  	_ =	shalt  }
0x69: {  	_ =	shalt  }
0x6a: {  	_ =	shalt  }
0x6b: {  	_ =	shalt  }
0x6c: {  	_ =	shalt  }
0x6d: {  	_ =	shalt  }
0x6e: {  	_ =	shalt  }
0x6f: {  	_ =	shalt  }
0x70: {  	_ =	shalt  }
0x71: {  	_ =	shalt  }
0x72: {  	_ =	shalt  }
0x73: {  	_ =	shalt  }
0x74: {  	_ =	shalt  }
0x75: {  	_ =	shalt  }
0x76: {  	_ =	shalt  }
0x77: {  	_ =	shalt  }
0x78: {  	_ =	shalt  }
0x79: {  	_ =	shalt  }
0x7a: {  	_ =	shalt  }
0x7b: {  	_ =	shalt  }
0x7c: {  	_ =	shalt  }
0x7d: {  	_ =	shalt  }
0x7e: {  	_ =	shalt  }
0x7f: {  	_ =	shalt  }
0x80: {  	_ =	shalt  }
0x81: {  	_ =	shalt  }
0x82: {  	_ =	shalt  }
0x83: {  	_ =	shalt  }
0x84: {  	_ =	shalt  }
0x85: {  	_ =	shalt  }
0x86: {  	_ =	shalt  }
0x87: {  	_ =	shalt  }
.Lfunc_end0:
.L_simem_size_0:
called_computation.1_lowered:
.L_overlay_start_0:
0x88: {  	s2 =	sld [smem:$0x3FD9]  }
0x89: {  	s3 =	sld [smem:$0x3FFE];
	_ =	sdelay $0x1  }
0x8a: {  	s1 =	srdreg.scid  }
0x8b: {  	s0 =	sand.u32 $0x1, s1  }
0x8c: {  	s17 =	sshll.u32 s0, $0xA;
	s2 =	sadd.s32 s3, s2  }
0x8d: {  	s2 =	sadd.s32 s2, s17  }
0x8e: {  	[smem:$0x3FC2] =	sst s2  }
0x8f: {  	_ = 	snop  }
0x90: {  	s2 =	sld [smem:$0x3FD0];
	(tm) =	ssettm $0x1  }
0x91: {  	s18 =	sld [smem:$0x3FFB];
	_ =	sdelay $0x3  }
0x92: {  	_ =	strace s18  }
0x93: {  	s3 =	sld [smem:$0x3FFC];
	_ =	sdelay $0x3  }
0x94: {  	_ =	strace s3  }
0x95: {  	s3 =	sld [smem:$0x3FFD];
	_ =	sdelay $0x3  }
0x96: {  	_ =	strace s3  }
0x97: {  	_ =	strace $0x8FFFFFFF  }
0x98: {  	s19 =	sld [smem:$0x3FDB];
	_ =	sdelay $0x1  }
0x99: {  	s4 =	simm.s32 $_scs_section_size  }
0x9a: {  	s5 =	simm.s32 $_size__tile_overlayer_lowered;
	s6 =	simm.s32 $_tile_overlayer_lowered  }
0x9b: {  	s22 =	simm.s32 $0x1BFF;
	s21 =	sshll.u32 s6, $0x1;
	s3 =	sadd.s32 s4, s19  }
0x9c: {  	s7 =	simm.s32 $0x0;
	s20 =	sshll.u32 s5, $0x1;
	s5 =	sadd.s32 s21, s3  }
0x9d: {  	[timem:s7], [sflag:s22] =	dma.local [hbm:s5], s20  }
0x9e: {  	_ =	swait.ge [sflag:s22], s20  }
0x9f: {  	s4 =	ssub.s32 $0x0, s20;
	[sflag:s22] =	ssyncset.done $0x0  }
0xa0: {  	[sflag:s22] =	ssyncadd.s32 s4;
	_ =	sdelay $0x1  }
0xa1: {  	s23 =	simm.s32 $0x1B8B  }
0xa2: {  	_ =	swait.ge [sflag:s23], $0x1  }
0xa3: {  	[sflag:s23] =	ssyncset.done $0x0  }
0xa4: {  	s25 =	simm.s32 $0x1B8E;
	s24 =	sld [smem:$0x3FFE];
	[sflag:s23] =	ssyncadd.s32 $0xFFFFFFFF  }
0xa5: {  	s26 =	simm.s32 $execute0_lowered;
	[smem:$0x3FD2] =	sst s25  }
0xa6: {  	s5 =	sshll.u32 s26, $0x1;
	_ =	strace $0x80000049;
	[dreg:$0x1] =	wrdreg $0xFFFFFFFF  }
0xa7: {  	s28 =	simm.s32 $_size_execute0_lowered;
	s3 =	sadd.s32 s3, s5;
	[dreg:$0x0] =	wrdreg $0x0  }
0xa8: {  	s5 =	sshll.u32 s28, $0x1;
	[dreg:$0x2] =	wrdreg s3  }
0xa9: {  	[dreg:$0x3] =	wrdreg s5  }
0xaa: {  	[dreg:$0x4] =	wrdreg $0xC0  }
0xab: {  	_ =	task [dreg:s7], $0x5FFFF  }
0xac: {  	[dreg:$0x1] =	wrdreg $0xFFFFFFFF  }
0xad: {  	[dreg:$0x0] =	wrdreg $0x60  }
0xae: {  	[dreg:$0x2] =	wrdreg s2  }
0xaf: {  	[dreg:$0x3] =	wrdreg s24  }
0xb0: {  	[dreg:$0x4] =	wrdreg $0xB7800  }
0xb1: {  	[dreg:$0x5] =	wrdreg $0x9  }
0xb2: {  	_ =	task.clear_ibuf [dreg:s7], $0x6FFFF;
	_ =	strace $0x90000049  }
0xb3: {  	s29 =	simm.s32 $0x9;
	_ =	strace $0x8000004B  }
0xb4: {  	_ =	swait.ge [sflag:s29], $0x1  }
0xb5: {  	[sflag:s29] =	ssyncadd.s32 $0xFFFFFFFF  }
0xb6: {  	_ =	strace $0x9000004B  }
0xb7: {  	_ =	sfence  }
0xb8: {  	s30 =	sld [smem:$0x0];
	_ =	sdelay $0x2  }
0xb9: {  	s31 =	sshll.u32 s1, $0xD;
	s1 =	sshrl.u32 s1, $0x2  }
0xba: {  	s3 =	sand.u32 $0x4000, s31;
	s1 =	sadd.s32 s1, s30  }
0xbb: {  	s0 =	sor.u32 s3, s0;
	s1 =	sshll.u32 s1, $0x11  }
0xbc: {  	s0 =	sor.u32 s1, s0  }
0xbd: {  	s0 =	sadd.s32 $0x8F2B, s0  }
0xbe: {  	[sflag:s0] =	ssyncadd.remote.s32 $0x1  }
0xbf: {  	_ =	sfence.sel $0xFFFF  }
0xc0: {  	[dreg:$0x0] =	wrdreg $0xFFFFFFFF;
	(pc) =	sbr.abs _section_cstart, $3  }
0xc1: {  	[dreg:$0x1] =	wrdreg $0xFFFFFFFF  }
0xc2: {  	_ =	task.clear_ibuf [dreg:s7], $0x2FFFF;
	_ =	strace $0x9FFFFFFF  }
0xc3: {  	(tm) =	ssettm $0x7FFFFFFF  }
tec
execute0_lowered:
.L_overlay_start_1:
0x0: {  	(tag) =	ssettag $0x1  }
0x1: {  	s0 =	srdreg.scid;
	s1 =	rddreg [dreg:$0x0]  }
0x2: {  	s2 =	rddreg [dreg:$0x1];
	s8 =	stileid.u32  }
0x3: {  	s3 =	rddreg [dreg:$0x2];
	s31 =	simm.s32 $0x50;
	s30 =	simm.s32 $0x0  }
0x4: {  	s0 =	sand.u32 $0x1, s0;
	s7 =	sshll.u32 s8, $0x7;
	s15 =	smul.u32 $0x50000, s8  }
0x5: {  	s13 =	smul.u32 $0x14000, s8;
	s16 =	sadd.s32 $0x1BE00, s2;
	s4 =	sshll.u32 s0, $0x4  }
0x6: {  	s7 =	sand.u32 $0x380, s7;
	s17 =	ssub.s32 $0x2, s0;
	s0 =	smul.u32 $0x140000, s0  }
0x7: {  	s5 =	sor.u32 s8, s4;
	s4 =	simm.s32 $0x0;
	s18 =	sshrl.u32 s17, $0x1  }
0x8: {  	s19 =	sadd.s32 $0xC800, s13;
	s20 =	sadd.s32 $0xF000, s13;
	s21 =	sadd.s32 $0x11800, s13  }
0x9: {  	s6 =	sshrl.u32 s5, $0x3;
	[smem:$0x7FF] =	sst s4;
	s5 =	sshll.u32 s5, $0xB  }
0xa: {  	s24 =	ssub.s32 s17, s18;
	s17 =	sadd.s32 $0x7800, s13;
	s18 =	sadd.s32 $0xA000, s13  }
0xb: {  	s11 =	sadd.s32 s19, s3;
	s12 =	sadd.s32 s20, s3;
	s22 =	sadd.s32 s13, s0  }
0xc: {  	s26 =	sadd.s32 s0, s19;
	s28 =	sadd.s32 s0, s20;
	s6 =	smul.u32 $0x13C00, s6  }
0xd: {  	_ =	strace $0x8000004A;
	s5 =	sadd.s32 s5, s2;
	[dreg:$0x4] =	wrdreg s16  }
0xe: {  	s16 =	sadd.s32 $0x5000, s13;
	s9 =	sadd.s32 s17, s3;
	s10 =	sadd.s32 s18, s3  }
0xf: {  	s25 =	sadd.s32 s0, s17;
	s18 =	sadd.s32 s0, s18;
	s19 =	sshrl.u32 s22, $0x3  }
0x10: {  	s26 =	sshrl.u32 s26, $0x3;
	s29 =	sshrl.u32 s28, $0x3;
	s24 =	smax.u32 s24, $0x1  }
0x11: {  	s28 =	simm.s32 $0x2;
	s8 =	sadd.s32 s16, s3;
	s23 =	sadd.s32 s0, s16  }
0x12: {  	s5 =	sadd.s32 $0x1C00, s5;
	s6 =	sor.u32 s7, s6;
	s7 =	sshrl.u32 s15, $0x2  }
0x13: {  	s15 =	sor.u32 $0x2800, s13;
	s13 =	sadd.s32 s21, s3;
	[dreg:$0x6] =	wrdreg s5  }
0x14: {  	s22 =	sshrl.u32 s23, $0x3;
	s23 =	sshrl.u32 s25, $0x3;
	s6 =	sshrl.u32 s6, $0x3  }
0x15: {  	s25 =	sshrl.u32 s18, $0x3;
	s14 =	sadd.s32 s6, s2;
	s2 =	sadd.s32 $0x1C400, s2  }
0x16: {  	s6 =	sadd.s32 s7, s3;
	s7 =	sadd.s32 s15, s3;
	s15 =	sadd.s32 s0, s15  }
0x17: {  	s0 =	sadd.s32 s0, s21;
	s14 =	sadd.s32 $0x12000, s14;
	s20 =	sshrl.u32 s15, $0x3  }
0x18: {  	s21 =	sadd.s32 s2, s19;
	s18 =	sadd.s32 s2, s22;
	s19 =	sadd.s32 s2, s23  }
0x19: {  	s0 =	sshrl.u32 s0, $0x3;
	s22 =	sadd.s32 s2, s29;
	[dreg:$0x5] =	wrdreg s14  }
0x1a: {  	[dreg:$0x7] =	wrdreg s21;
	s17 =	sadd.s32 s2, s20;
	s20 =	sadd.s32 s2, s25  }
0x1b: {  	s21 =	sadd.s32 s2, s26;
	s23 =	sadd.s32 s2, s0;
	s25 =	simm.s32 $0x6780  }
0x1c: {  	s26 =	simm.s32 $0x3;
	s2 =	simm.s32 $0x8F80;
	s0 =	simm.s32 $0x1  }
.LBB2_1:
0x1d: {  	s5 =	rddreg [dreg:$0x4]  }
0x1e: {  	[tilespmem:s25], [sflag:$0x3] =	stream.linear.gather [hbm4b:s5+s4], $0x2800, $0x38;
	[tilespmem:$0x1F780] =	vst v63  }
0x1f: {  	_ =	swait.ge [sflag:s26], $0x2800  }
0x20: {  	[sflag:s26] =	ssyncset.done $0x0  }
0x21: {  	[sflag:s26] =	ssyncadd.s32 $0xFFFFD800  }
0x22: {  	[spmem:s6] =	stream.linear.scatter [tilespmem:s25], [sflag:$0x3], $0x2800, $0x38;
	[tilespmem:$0x1F780] =	vst v63  }
0x23: {  	_ =	swait.ge [sflag:s26], $0x2800  }
0x24: {  	[sflag:s26] =	ssyncset.done $0x0  }
0x25: {  	[sflag:s26] =	ssyncadd.s32 $0xFFFFD800  }
0x26: {  	[spmem:s7] =	stream.linear.scatter [tilespmem:s25], [sflag:$0x3], $0x2800, $0x38;
	[tilespmem:$0x1F780] =	vst v63  }
0x27: {  	_ =	swait.ge [sflag:s26], $0x2800  }
0x28: {  	[sflag:s26] =	ssyncset.done $0x0  }
0x29: {  	[sflag:s26] =	ssyncadd.s32 $0xFFFFD800  }
0x2a: {  	[spmem:s8] =	stream.linear.scatter [tilespmem:s25], [sflag:$0x3], $0x2800, $0x38;
	[tilespmem:$0x1F780] =	vst v63  }
0x2b: {  	_ =	swait.ge [sflag:s26], $0x2800  }
0x2c: {  	[sflag:s26] =	ssyncset.done $0x0  }
0x2d: {  	[sflag:s26] =	ssyncadd.s32 $0xFFFFD800  }
0x2e: {  	[spmem:s9] =	stream.linear.scatter [tilespmem:s25], [sflag:$0x3], $0x2800, $0x38;
	[tilespmem:$0x1F780] =	vst v63  }
0x2f: {  	_ =	swait.ge [sflag:s26], $0x2800  }
0x30: {  	[sflag:s26] =	ssyncset.done $0x0  }
0x31: {  	[sflag:s26] =	ssyncadd.s32 $0xFFFFD800  }
0x32: {  	[spmem:s10] =	stream.linear.scatter [tilespmem:s25], [sflag:$0x3], $0x2800, $0x38;
	[tilespmem:$0x1F780] =	vst v63  }
0x33: {  	_ =	swait.ge [sflag:s26], $0x2800  }
0x34: {  	[sflag:s26] =	ssyncset.done $0x0  }
0x35: {  	[sflag:s26] =	ssyncadd.s32 $0xFFFFD800  }
0x36: {  	[spmem:s11] =	stream.linear.scatter [tilespmem:s25], [sflag:$0x3], $0x2800, $0x38;
	[tilespmem:$0x1F780] =	vst v63  }
0x37: {  	_ =	swait.ge [sflag:s26], $0x2800  }
0x38: {  	[sflag:s26] =	ssyncset.done $0x0  }
0x39: {  	[sflag:s26] =	ssyncadd.s32 $0xFFFFD800  }
0x3a: {  	[spmem:s12] =	stream.linear.scatter [tilespmem:s25], [sflag:$0x3], $0x2800, $0x38;
	[tilespmem:$0x1F780] =	vst v63  }
0x3b: {  	_ =	swait.ge [sflag:s26], $0x2800  }
0x3c: {  	[sflag:s26] =	ssyncset.done $0x0  }
0x3d: {  	[sflag:s26] =	ssyncadd.s32 $0xFFFFD800  }
0x3e: {  	[spmem:s13] =	stream.linear.scatter [tilespmem:s25], [sflag:$0x3], $0x2800, $0x38;
	[tilespmem:$0x1F780] =	vst v63  }
0x3f: {  	_ =	swait.ge [sflag:s26], $0x2800  }
0x40: {  	s14 =	simm.s32 $0x80;
	[sflag:s26] =	ssyncset.done $0x0  }
0x41: {  	s15 =	simm.s32 $0x400;
	s16 =	rddreg [dreg:$0x5];
	[sflag:s26] =	ssyncadd.s32 $0xFFFFD800  }
0x42: {  	[tilespmem:s4], [sflag:$0x3] =	stream.strided.gather [hbm4b:s16+s14], $0x2780, s15, s14, $0x38;
	[tilespmem:$0x1F780] =	vst v63  }
0x43: {  	_ =	swait.ge [sflag:s26], $0x2780  }
0x44: {  	[sflag:s26] =	ssyncset.done $0x0  }
0x45: {  	s15 =	simm.s32 $0x2780;
	s14 =	rddreg [dreg:$0x6];
	[sflag:s26] =	ssyncadd.s32 $0xFFFFD880  }
0x46: {  	[tilespmem:s15], [sflag:$0x3] =	stream.linear.gather [hbm4b:s14+s4], $0x3E80, $0x38;
	[tilespmem:$0x1F780] =	vst v63  }
0x47: {  	_ =	swait.ge [sflag:s26], $0x3E80  }
0x48: {  	[sflag:s26] =	ssyncset.done $0x0  }
0x49: {  	[sflag:s26] =	ssyncadd.s32 $0xFFFFC180  }
0x4a: {  	[bflag:$0x0] =	sbarrier.arrive $0xFFFF  }
0x4b: {  	[tilespmem:s25], [sflag:$0x1] =	stream.indirect.gather [hbm4b:s1+s31], $0x80, s4, s31, $0xb8;
	[tilespmem:$0x1F780] =	vst v63  }
0x4c: {  	s16 =	simm.s32 $0x50  }
0x4d: {  	[tilespmem:s2], [sflag:$0x2] =	stream.indirect.gather [hbm4b:s1+s31], $0x80, s16, s31, $0xb8;
	[tilespmem:$0x1F780] =	vst v63  }
0x4e: {  	_ =	swait.ge [sflag:s0], $0x2800  }
0x4f: {  	[sflag:s0] =	ssyncset.done $0x0  }
0x50: {  	s14 =	simm.s32 $0x2780;
	[sflag:s0] =	ssyncadd.s32 $0xFFFFD800  }
0x51: {  	[spmem:s3] =	stream.indirect.scatter.add.f32 [tilespmem:s25], [sflag:$0x3], $0x80, s14, s31, $0xb8;
	[tilespmem:$0x1F780] =	vst v63  }
0x52: {  	_ =	swait.ge [sflag:s26], $0x2800  }
0x53: {  	[sflag:s26] =	ssyncset.done $0x0  }
0x54: {  	s15 =	simm.s32 $0xA0;
	[sflag:s26] =	ssyncadd.s32 $0xFFFFD800  }
0x55: {  	[tilespmem:s25], [sflag:$0x1] =	stream.indirect.gather [hbm4b:s1+s31], $0x80, s15, s31, $0xb8;
	[tilespmem:$0x1F780] =	vst v63  }
0x56: {  	_ =	swait.ge [sflag:s28], $0x2800  }
0x57: {  	[sflag:s28] =	ssyncset.done $0x0  }
0x58: {  	s16 =	simm.s32 $0x2800;
	[sflag:s28] =	ssyncadd.s32 $0xFFFFD800  }
0x59: {  	[spmem:s3] =	stream.indirect.scatter.add.f32 [tilespmem:s2], [sflag:$0x3], $0x80, s16, s31, $0xb8;
	[tilespmem:$0x1F780] =	vst v63  }
0x5a: {  	s29 =	simm.s32 $0x140;
	_ =	swait.ge [sflag:s26], $0x2800  }
0x5b: {  	s5 =	simm.s32 $0x400;
	s14 =	simm.s32 $0x800;
	[sflag:s26] =	ssyncset.done $0x0  }
.LBB2_2:
0x5c: {  	p0 =	sne.s32 s14, $0xF400;
	s15 =	sadd.s32 $0xFFFFFFB0, s29;
	[sflag:s26] =	ssyncadd.s32 $0xFFFFD800  }
0x5d: {  	[tilespmem:s2], [sflag:$0x2] =	stream.indirect.gather [hbm4b:s1+s31], $0x80, s15, s31, $0xb8;
	[tilespmem:$0x1F780] =	vst v63  }
0x5e: {  	s15 =	smov.u32 s14;
	s14 =	sadd.s32 $0x400, s14;
	_ =	swait.ge [sflag:s0], $0x2800  }
0x5f: {  	s16 =	sshra.s32 s5, $0x2;
	s5 =	smov.u32 s15;
	[sflag:s0] =	ssyncset.done $0x0  }
0x60: {  	s15 =	sadd.s32 $0x2780, s16;
	[sflag:s0] =	ssyncadd.s32 $0xFFFFD800  }
0x61: {  	[spmem:s3] =	stream.indirect.scatter.add.f32 [tilespmem:s25], [sflag:$0x3], $0x80, s15, s31, $0xb8;
	[tilespmem:$0x1F780] =	vst v63  }
0x62: {  	_ =	swait.ge [sflag:s26], $0x2800  }
0x63: {  	[sflag:s26] =	ssyncset.done $0x0  }
0x64: {  	[sflag:s26] =	ssyncadd.s32 $0xFFFFD800  }
0x65: {  	[tilespmem:s25], [sflag:$0x1] =	stream.indirect.gather [hbm4b:s1+s31], $0x80, s29, s31, $0xb8;
	[tilespmem:$0x1F780] =	vst v63  }
0x66: {  	_ =	swait.ge [sflag:s28], $0x2800  }
.Ltmp0:
0x67: {  	[sflag:s28] =	ssyncset.done $0x0;
	(pc) =	sbr.rel @p0 .LBB2_2-.Ltmp0, $4  }
0x68: {  	s15 =	sadd.s32 $0x2800, s16;
	[sflag:s28] =	ssyncadd.s32 $0xFFFFD800  }
0x69: {  	[spmem:s3] =	stream.indirect.scatter.add.f32 [tilespmem:s2], [sflag:$0x3], $0x80, s15, s31, $0xb8;
	[tilespmem:$0x1F780] =	vst v63  }
0x6a: {  	_ =	swait.ge [sflag:s26], $0x2800  }
0x6b: {  	s29 =	sadd.s32 $0xA0, s29;
	[sflag:s26] =	ssyncset.done $0x0  }
0x6c: {  	s14 =	sadd.s32 $0xFFFFFFB0, s29;
	[sflag:s26] =	ssyncadd.s32 $0xFFFFD800  }
0x6d: {  	[tilespmem:s2], [sflag:$0x2] =	stream.indirect.gather [hbm4b:s1+s31], $0x80, s14, s31, $0xb8;
	[tilespmem:$0x1F780] =	vst v63  }
0x6e: {  	_ =	swait.ge [sflag:s0], $0x2800  }
0x6f: {  	s5 =	sshra.s32 s5, $0x2;
	[sflag:s0] =	ssyncset.done $0x0  }
0x70: {  	s15 =	sadd.s32 $0x2780, s5;
	[sflag:s0] =	ssyncadd.s32 $0xFFFFD800  }
0x71: {  	[spmem:s3] =	stream.indirect.scatter.add.f32 [tilespmem:s25], [sflag:$0x3], $0x80, s15, s31, $0xb8;
	[tilespmem:$0x1F780] =	vst v63  }
0x72: {  	_ =	swait.ge [sflag:s26], $0x2800  }
0x73: {  	[sflag:s26] =	ssyncset.done $0x0  }
0x74: {  	[sflag:s26] =	ssyncadd.s32 $0xFFFFD800  }
0x75: {  	[tilespmem:s25], [sflag:$0x1] =	stream.indirect.gather [hbm4b:s1+s31], $0x80, s29, s31, $0xb8;
	[tilespmem:$0x1F780] =	vst v63  }
0x76: {  	_ =	swait.ge [sflag:s28], $0x2800  }
0x77: {  	[sflag:s28] =	ssyncset.done $0x0  }
0x78: {  	s5 =	sadd.s32 $0x2800, s5;
	[sflag:s28] =	ssyncadd.s32 $0xFFFFD800  }
0x79: {  	[spmem:s3] =	stream.indirect.scatter.add.f32 [tilespmem:s2], [sflag:$0x3], $0x80, s5, s31, $0xb8;
	[tilespmem:$0x1F780] =	vst v63  }
0x7a: {  	_ =	swait.ge [sflag:s26], $0x2800  }
0x7b: {  	[sflag:s26] =	ssyncset.done $0x0  }
0x7c: {  	[sflag:s26] =	ssyncadd.s32 $0xFFFFD800  }
0x7d: {  	_ =	swait.ge [sflag:s0], $0x2800  }
0x7e: {  	[sflag:s0] =	ssyncset.done $0x0  }
0x7f: {  	s16 =	simm.s32 $0x6580;
	[sflag:s0] =	ssyncadd.s32 $0xFFFFD800  }
0x80: {  	[spmem:s3] =	stream.indirect.scatter.add.f32 [tilespmem:s25], [sflag:$0x3], $0x80, s16, s31, $0xb8;
	[tilespmem:$0x1F780] =	vst v63  }
0x81: {  	_ =	swait.ge [sflag:s26], $0x2800  }
0x82: {  	[sflag:s26] =	ssyncset.done $0x0  }
0x83: {  	[sflag:s26] =	ssyncadd.s32 $0xFFFFD800  }
0x84: {  	[bflag:$0x0] =	sbarrier.arrive $0xFFFF  }
0x85: {  	[tilespmem:s25], [sflag:$0x3] =	stream.linear.gather [spmem:s6], $0x2800, $0x38;
	[tilespmem:$0x1F780] =	vst v63  }
0x86: {  	_ =	swait.ge [sflag:s26], $0x2800  }
0x87: {  	[sflag:s26] =	ssyncset.done $0x0  }
0x88: {  	s29 =	rddreg [dreg:$0x7];
	[sflag:s26] =	ssyncadd.s32 $0xFFFFD800  }
0x89: {  	[hbm4b:s29+s4] =	stream.linear.scatter [tilespmem:s25], [sflag:$0x1], $0x2800, $0x38;
	[tilespmem:$0x1F780] =	vst v63  }
0x8a: {  	_ = 	snop  }
0x8b: {  	[tilespmem:s2], [sflag:$0x3] =	stream.linear.gather [spmem:s7], $0x2800, $0x38;
	[tilespmem:$0x1F780] =	vst v63  }
0x8c: {  	_ =	swait.ge [sflag:s26], $0x2800  }
0x8d: {  	[sflag:s26] =	ssyncset.done $0x0  }
0x8e: {  	[sflag:s26] =	ssyncadd.s32 $0xFFFFD800  }
0x8f: {  	[hbm4b:s17+s4] =	stream.linear.scatter [tilespmem:s2], [sflag:$0x2], $0x2800, $0x38;
	[tilespmem:$0x1F780] =	vst v63  }
0x90: {  	_ =	swait.ge [sflag:s0], $0x2800  }
0x91: {  	[sflag:s0] =	ssyncset.done $0x0  }
0x92: {  	[sflag:s0] =	ssyncadd.s32 $0xFFFFD800  }
0x93: {  	[tilespmem:s25], [sflag:$0x3] =	stream.linear.gather [spmem:s8], $0x2800, $0x38;
	[tilespmem:$0x1F780] =	vst v63  }
0x94: {  	_ =	swait.ge [sflag:s26], $0x2800  }
0x95: {  	[sflag:s26] =	ssyncset.done $0x0  }
0x96: {  	[sflag:s26] =	ssyncadd.s32 $0xFFFFD800  }
0x97: {  	[hbm4b:s18+s4] =	stream.linear.scatter [tilespmem:s25], [sflag:$0x1], $0x2800, $0x38;
	[tilespmem:$0x1F780] =	vst v63  }
0x98: {  	_ =	swait.ge [sflag:s28], $0x2800  }
0x99: {  	[sflag:s28] =	ssyncset.done $0x0  }
0x9a: {  	[sflag:s28] =	ssyncadd.s32 $0xFFFFD800  }
0x9b: {  	[tilespmem:s2], [sflag:$0x3] =	stream.linear.gather [spmem:s9], $0x2800, $0x38;
	[tilespmem:$0x1F780] =	vst v63  }
0x9c: {  	_ =	swait.ge [sflag:s26], $0x2800  }
0x9d: {  	[sflag:s26] =	ssyncset.done $0x0  }
0x9e: {  	[sflag:s26] =	ssyncadd.s32 $0xFFFFD800  }
0x9f: {  	[hbm4b:s19+s4] =	stream.linear.scatter [tilespmem:s2], [sflag:$0x2], $0x2800, $0x38;
	[tilespmem:$0x1F780] =	vst v63  }
0xa0: {  	_ =	swait.ge [sflag:s0], $0x2800  }
0xa1: {  	[sflag:s0] =	ssyncset.done $0x0  }
0xa2: {  	[sflag:s0] =	ssyncadd.s32 $0xFFFFD800  }
0xa3: {  	[tilespmem:s25], [sflag:$0x3] =	stream.linear.gather [spmem:s10], $0x2800, $0x38;
	[tilespmem:$0x1F780] =	vst v63  }
0xa4: {  	_ =	swait.ge [sflag:s26], $0x2800  }
0xa5: {  	[sflag:s26] =	ssyncset.done $0x0  }
0xa6: {  	[sflag:s26] =	ssyncadd.s32 $0xFFFFD800  }
0xa7: {  	[hbm4b:s20+s4] =	stream.linear.scatter [tilespmem:s25], [sflag:$0x1], $0x2800, $0x38;
	[tilespmem:$0x1F780] =	vst v63  }
0xa8: {  	_ =	swait.ge [sflag:s28], $0x2800  }
0xa9: {  	[sflag:s28] =	ssyncset.done $0x0  }
0xaa: {  	[sflag:s28] =	ssyncadd.s32 $0xFFFFD800  }
0xab: {  	[tilespmem:s2], [sflag:$0x3] =	stream.linear.gather [spmem:s11], $0x2800, $0x38;
	[tilespmem:$0x1F780] =	vst v63  }
0xac: {  	_ =	swait.ge [sflag:s26], $0x2800  }
0xad: {  	[sflag:s26] =	ssyncset.done $0x0  }
0xae: {  	[sflag:s26] =	ssyncadd.s32 $0xFFFFD800  }
0xaf: {  	[hbm4b:s21+s4] =	stream.linear.scatter [tilespmem:s2], [sflag:$0x2], $0x2800, $0x38;
	[tilespmem:$0x1F780] =	vst v63  }
0xb0: {  	_ =	swait.ge [sflag:s0], $0x2800  }
0xb1: {  	[sflag:s0] =	ssyncset.done $0x0  }
0xb2: {  	[sflag:s0] =	ssyncadd.s32 $0xFFFFD800  }
0xb3: {  	[tilespmem:s25], [sflag:$0x3] =	stream.linear.gather [spmem:s12], $0x2800, $0x38;
	[tilespmem:$0x1F780] =	vst v63  }
0xb4: {  	_ =	swait.ge [sflag:s26], $0x2800  }
0xb5: {  	[sflag:s26] =	ssyncset.done $0x0  }
0xb6: {  	[sflag:s26] =	ssyncadd.s32 $0xFFFFD800  }
0xb7: {  	[hbm4b:s22+s4] =	stream.linear.scatter [tilespmem:s25], [sflag:$0x1], $0x2800, $0x38;
	[tilespmem:$0x1F780] =	vst v63  }
0xb8: {  	_ =	swait.ge [sflag:s28], $0x2800  }
0xb9: {  	[sflag:s28] =	ssyncset.done $0x0  }
0xba: {  	[sflag:s28] =	ssyncadd.s32 $0xFFFFD800  }
0xbb: {  	[tilespmem:s2], [sflag:$0x3] =	stream.linear.gather [spmem:s13], $0x2800, $0x38;
	[tilespmem:$0x1F780] =	vst v63  }
0xbc: {  	_ =	swait.ge [sflag:s26], $0x2800  }
0xbd: {  	[sflag:s26] =	ssyncset.done $0x0  }
0xbe: {  	s30 =	sadd.s32 $0x1, s30;
	[sflag:s26] =	ssyncadd.s32 $0xFFFFD800  }
0xbf: {  	[hbm4b:s23+s4] =	stream.linear.scatter [tilespmem:s2], [sflag:$0x2], $0x2800, $0x38;
	[tilespmem:$0x1F780] =	vst v63  }
0xc0: {  	p0 =	sne.s32 s30, s24;
	_ =	swait.ge [sflag:s0], $0x2800  }
.Ltmp1:
0xc1: {  	[sflag:s0] =	ssyncset.done $0x0;
	(pc) =	sbr.rel @p0 .LBB2_1-.Ltmp1, $4  }
0xc2: {  	[sflag:s0] =	ssyncadd.s32 $0xFFFFD800  }
0xc3: {  	_ =	swait.ge [sflag:s28], $0x2800  }
0xc4: {  	[sflag:s28] =	ssyncset.done $0x0  }
0xc5: {  	[sflag:s28] =	ssyncadd.s32 $0xFFFFD800  }
0xc6: {  	_ =	sfence.sel $0x180000  }
0xc7: {  	[bflag:$0x0] =	sbarrier.arrive $0xFFFF  }
0xc8: {  	_ =	strace $0x9000004A  }
0xc9: {  	s0 =	stileid.u32;
	[bflag:$0x2] =	sbarrier.arrive $0xFFFF  }
0xca: {  	p0 =	sne.s32 s0, $0x0;
	s0 =	rddreg [dreg:$0x3]  }
0xcb: {  	s0 =	sadd.s32 @!p0 $0x100000, s0  }
0xcc: {  	[sflag:s0] =	ssyncadd.tile.s32 @!p0 $0x1;
	_ =	shalt  }
.Lfunc_end2:
_tile_overlayer_lowered:
.L_overlay_start_2:
0xcd: {  	(tag) =	ssettag $0x2  }
0xce: {  	s0 =	rddreg [dreg:$0x0];
	s2 =	stileid.u32  }
0xcf: {  	s1 =	rddreg [dreg:$0x1];
	p0 =	sne.s32 s2, $0x0  }
0xd0: {  	s3 =	rddreg [dreg:$0x2];
	[bflag:$0x3] =	sbarrier.arrive $0xFFFF;
	s2 =	simm.s32 @!p0 $0x1C03  }
0xd1: {  	[timem:s3], [sflag:s2] =	dma.local @!p0 [hbm:s0], s1  }
0xd2: {  	s0 =	simm.s32 @!p0 $0x3  }
0xd3: {  	_ =	swait.ge @!p0 [sflag:s0], s1  }
0xd4: {  	s1 =	ssub.s32 @!p0 $0x0, s1;
	[sflag:s0] =	ssyncset.done @!p0 $0x0  }
0xd5: {  	[sflag:s0] =	ssyncadd.s32 @!p0 s1  }
0xd6: {  	[bflag:$0x3] =	sbarrier.arrive $0xFFFF  }
0xd7: {  	_ =	shalt  }

</sc_bundles>
